<compile_context>
chip_gen: v7x
topology: tpu7x:2x2x1
jax: 0.10.2.dev20260603
libtpu: 0.0.44.dev20260713+nightly
codegen_flags: <defaults>
</compile_context>

<pallas_src>
import functools

import jax
import jax.numpy as jnp
from jax import lax
from jax.experimental import pallas as pl
from jax.experimental.pallas import tpu as pltpu
from jax.experimental.pallas import tpu_sc as plsc

EPS = 1e-6
NBUF = 4




def _make_sc_gather(num_rows, hidden):
    info = plsc.get_sparse_core_info()
    nc = info.num_cores

    rows_per_w = 8
    num_workers = num_rows // rows_per_w

    mesh = plsc.VectorSubcoreMesh(core_axis_name="c", subcore_axis_name="s")

    @functools.partial(
        pl.kernel,
        mesh=mesh,
        out_type=jax.ShapeDtypeStruct((num_rows, hidden), jnp.float32),
        scratch_types=[
            pltpu.VMEM((rows_per_w,), jnp.int32),
            pltpu.VMEM((rows_per_w, hidden), jnp.float32),
            pltpu.SemaphoreType.DMA,
        ],
    )
    def gather(idx_hbm, table_hbm, out_hbm, idx_v, rows_v, sem):
        wid = lax.axis_index("s") * nc + lax.axis_index("c")

        @pl.when(wid < num_workers)
        def _():
            base = wid * rows_per_w
            pltpu.sync_copy(idx_hbm.at[pl.ds(base, rows_per_w)], idx_v)
            pltpu.async_copy(table_hbm.at[idx_v], rows_v, sem).wait()
            pltpu.sync_copy(rows_v, out_hbm.at[pl.ds(base, rows_per_w)])

    return gather




def _make_add_ln(b, p, h):
    assert b % NBUF == 0
    num_g = b // NBUF

    def body(feat_hbm, ovec_v, gamma_v, beta_v, out_hbm, inbuf, outbuf,
             insem, outsem):
        def start_in(img, slot):
            pltpu.make_async_copy(
                feat_hbm.at[img], inbuf.at[slot], insem.at[slot]).start()

        def start_out(img, slot):
            pltpu.make_async_copy(
                outbuf.at[slot], out_hbm.at[img], outsem.at[slot]).start()

        for s in range(NBUF):
            start_in(s, s)

        def g_body(g, carry):
            for s in range(NBUF):
                img = g * NBUF + s
                pltpu.make_async_copy(
                    feat_hbm.at[img], inbuf.at[s], insem.at[s]).wait()

                @pl.when(g > 0)
                def _():
                    pltpu.make_async_copy(
                        outbuf.at[s], out_hbm.at[img - NBUF],
                        outsem.at[s]).wait()

                x = inbuf[s] + ovec_v[img]
                mean = jnp.mean(x, axis=-1, keepdims=True)
                meansq = jnp.mean(x * x, axis=-1, keepdims=True)
                inv = lax.rsqrt(meansq - mean * mean + EPS)
                outbuf[s] = (x - mean) * (inv * gamma_v[...]) + beta_v[...]

                start_out(img, s)

                @pl.when(g < num_g - 1)
                def _():
                    start_in(img + NBUF, s)
            return carry

        lax.fori_loop(0, num_g, g_body, 0)

        for s in range(NBUF):
            pltpu.make_async_copy(
                outbuf.at[s], out_hbm.at[b - NBUF + s], outsem.at[s]).wait()

    return pl.pallas_call(
        body,
        in_specs=[
            pl.BlockSpec(memory_space=pl.ANY),
            pl.BlockSpec(memory_space=pltpu.VMEM),
            pl.BlockSpec(memory_space=pltpu.VMEM),
            pl.BlockSpec(memory_space=pltpu.VMEM),
        ],
        out_specs=pl.BlockSpec(memory_space=pl.ANY),
        out_shape=jax.ShapeDtypeStruct((b, p, h), jnp.float32),
        scratch_shapes=[
            pltpu.VMEM((NBUF, p, h), jnp.float32),
            pltpu.VMEM((NBUF, p, h), jnp.float32),
            pltpu.SemaphoreType.DMA((NBUF,)),
            pltpu.SemaphoreType.DMA((NBUF,)),
        ],
        compiler_params=pltpu.CompilerParams(
            vmem_limit_bytes=60 * 1024 * 1024,
        ),
    )


def kernel(image_features, image_positions, order_emb, ln_gamma, ln_beta):
    b, p, h = image_features.shape
    num_rows = image_positions.shape[0]
    ovecs = _make_sc_gather(num_rows, h)(image_positions, order_emb)
    ovecs3 = ovecs.reshape(num_rows, 1, h)
    gamma2 = ln_gamma.reshape(1, h)
    beta2 = ln_beta.reshape(1, h)
    return _make_add_ln(b, p, h)(image_features, ovecs3, gamma2, beta2)

# --- scband reference (transcript-rebuilt; emitter-appended) ---
"""Pipeline reference for scband-image-order-embedding-75840532512913 (READ-ONLY COPY).

The authoritative reference and input builder live on the scoring server;
editing this copy changes nothing except your own understanding.
"""

import jax, jax.numpy as jnp
import numpy as np

HIDDEN_DIM = 768
MAX_NUM_IMAGES = 64
B_IMG = 64
PATCH_NUM = 1024
EPS = 1e-6


def setup_inputs(seed: int = 0) -> dict:
    key = jax.random.key(seed)
    k1, k2, k3 = jax.random.split(key, 3)
    image_features = jax.random.normal(k1, (B_IMG, PATCH_NUM, HIDDEN_DIM), dtype=jnp.float32)
    image_positions = jax.random.randint(k2, (B_IMG,), 0, MAX_NUM_IMAGES, dtype=jnp.int32)
    order_emb = (jax.random.normal(k3, (MAX_NUM_IMAGES, HIDDEN_DIM), dtype=jnp.float32) * 0.02)
    ln_gamma = jnp.ones((HIDDEN_DIM,), dtype=jnp.float32)
    ln_beta = jnp.zeros((HIDDEN_DIM,), dtype=jnp.float32)
    return {
        "image_features": image_features,
        "image_positions": image_positions,
        "order_emb": order_emb,
        "ln_gamma": ln_gamma,
        "ln_beta": ln_beta,
    }


def reference(image_features, image_positions, order_emb, ln_gamma, ln_beta):
    # embedding lookup: order_emb(image_positions) -> [B_img, hidden_dim]
    order_vectors = jnp.take(order_emb, image_positions, axis=0)
    # broadcast over patch dimension and add
    enhanced = image_features + order_vectors[:, None, :]
    # LayerNorm over last dim, eps=1e-6 (biased variance, like torch)
    mean = jnp.mean(enhanced, axis=-1, keepdims=True)
    var = jnp.var(enhanced, axis=-1, keepdims=True)
    normed = (enhanced - mean) / jnp.sqrt(var + EPS)
    out = normed * ln_gamma + ln_beta
    return out

if __name__ == "__main__":
    import jax
    _d = setup_inputs()
    print(jax.jit(kernel)(*tuple(_d.values())))

</pallas_src>

<mosaic_0001>
#map = affine_map<(d0, d1) -> (0)>
#map1 = affine_map<(d0, d1) -> (0, 0)>
module attributes {stable_mosaic.version = 14 : i64} {
  func.func @gather(%arg0: i32, %arg1: i32, %arg2: memref<64xi32, #tpu.memory_space<hbm>>, %arg3: memref<64x768xf32, #tpu.memory_space<hbm>>, %arg4: memref<64x768xf32, #tpu.memory_space<hbm>>, %arg5: memref<8xi32, #tpu.memory_space<vmem>>, %arg6: memref<8x768xf32, #tpu.memory_space<vmem>>, %arg7: memref<!tpu.dma_semaphore, #tpu.memory_space<semaphore_mem>>) attributes {dimension_semantics = [#tpu.dimension_semantics<core_parallel>, #tpu.dimension_semantics<subcore_parallel>], iteration_bounds = array<i64: 2, 16>, scalar_prefetch = 0 : i64, scratch_operands = 3 : i64, tpu.core_type = #tpu.core_type<sc_vector_subcore>, window_params = [{transform_indices = #map}, {transform_indices = #map1}, {transform_indices = #map1}]} {
    %mul3A = arith.constant 2 : i32
    %mul3A_0 = arith.muli %arg1, %mul3A : i32
    %add3A = arith.addi %mul3A_0, %arg0 : i32
    %lt3A = arith.constant 8 : i32
    %lt3A_1 = arith.cmpi slt, %add3A, %lt3A : i32
    %convert_element_type3A = arith.extui %lt3A_1 : i1 to i32
    %cond3A = arith.constant 0 : i32
    %cond3A_2 = arith.cmpi ne, %convert_element_type3A, %cond3A : i32
    scf.if %cond3A_2 {
      %mul3A_3 = arith.constant 8 : i32
      %mul3A_4 = arith.muli %add3A, %mul3A_3 : i32
      "tpu.region"() ({
        %run_scoped3A = tpu.sem_alloc : memref<!tpu.dma_semaphore, #tpu.memory_space<semaphore_mem>>
        %dma_start3A_9 = tpu.memref_slice %arg2[%mul3A_4] : memref<64xi32, #tpu.memory_space<hbm>> -> memref<8xi32, #tpu.memory_space<hbm>>
        %dma_start3A_10 = tpu.memref_slice %arg2[%mul3A_4] : memref<64xi32, #tpu.memory_space<hbm>> -> memref<8xi32, #tpu.memory_space<hbm>>
        tpu.enqueue_dma source(%dma_start3A_10 : memref<8xi32, #tpu.memory_space<hbm>>) target(%arg5 : memref<8xi32, #tpu.memory_space<vmem>>) target_semaphore(%run_scoped3A : memref<!tpu.dma_semaphore, #tpu.memory_space<semaphore_mem>>)
        %dma_wait3A_11 = tpu.memref_slice %arg2[%mul3A_4] : memref<64xi32, #tpu.memory_space<hbm>> -> memref<8xi32, #tpu.memory_space<hbm>>
        %dma_wait3A_12 = tpu.memref_slice %arg2[%mul3A_4] : memref<64xi32, #tpu.memory_space<hbm>> -> memref<8xi32, #tpu.memory_space<hbm>>
        tpu.wait_dma2 semaphore(%run_scoped3A : memref<!tpu.dma_semaphore, #tpu.memory_space<semaphore_mem>>) src(%dma_wait3A_12 : memref<8xi32, #tpu.memory_space<hbm>>) dst(%arg5 : memref<8xi32, #tpu.memory_space<vmem>>)
        tpu.yield
      }) : () -> ()
      %dma_start3A = arith.constant 0 : i32
      %dma_start3A_5 = arith.constant 0 : i32
      %dma_start3A_6 = tpu.memref_slice %arg3[%dma_start3A, %dma_start3A_5] : memref<64x768xf32, #tpu.memory_space<hbm>> -> memref<64x768xf32, #tpu.memory_space<hbm>>
      tpu.enqueue_indirect_dma source(%dma_start3A_6 : memref<64x768xf32, #tpu.memory_space<hbm>>) target(%arg6 : memref<8x768xf32, #tpu.memory_space<vmem>>) offsets(%arg5 : memref<8xi32, #tpu.memory_space<vmem>>) semaphore(%arg7 : memref<!tpu.dma_semaphore, #tpu.memory_space<semaphore_mem>>)
      %dma_wait3A = arith.constant 0 : i32
      %dma_wait3A_7 = arith.constant 0 : i32
      %dma_wait3A_8 = tpu.memref_slice %arg3[%dma_wait3A, %dma_wait3A_7] : memref<64x768xf32, #tpu.memory_space<hbm>> -> memref<64x768xf32, #tpu.memory_space<hbm>>
      tpu.wait_indirect_dma semaphore(%arg7 : memref<!tpu.dma_semaphore, #tpu.memory_space<semaphore_mem>>) src(%dma_wait3A_8 : memref<64x768xf32, #tpu.memory_space<hbm>>) dst(%arg6 : memref<8x768xf32, #tpu.memory_space<vmem>>)
      "tpu.region"() ({
        %run_scoped3A = tpu.sem_alloc : memref<!tpu.dma_semaphore, #tpu.memory_space<semaphore_mem>>
        %dma_start3A_9 = arith.constant 0 : i32
        %dma_start3A_10 = tpu.memref_slice %arg4[%mul3A_4, %dma_start3A_9] : memref<64x768xf32, #tpu.memory_space<hbm>> -> memref<8x768xf32, #tpu.memory_space<hbm>>
        %dma_start3A_11 = arith.constant 0 : i32
        %dma_start3A_12 = tpu.memref_slice %arg4[%mul3A_4, %dma_start3A_11] : memref<64x768xf32, #tpu.memory_space<hbm>> -> memref<8x768xf32, #tpu.memory_space<hbm>>
        tpu.enqueue_dma source(%arg6 : memref<8x768xf32, #tpu.memory_space<vmem>>) target(%dma_start3A_12 : memref<8x768xf32, #tpu.memory_space<hbm>>) target_semaphore(%run_scoped3A : memref<!tpu.dma_semaphore, #tpu.memory_space<semaphore_mem>>)
        %dma_wait3A_13 = arith.constant 0 : i32
        %dma_wait3A_14 = tpu.memref_slice %arg4[%mul3A_4, %dma_wait3A_13] : memref<64x768xf32, #tpu.memory_space<hbm>> -> memref<8x768xf32, #tpu.memory_space<hbm>>
        %dma_wait3A_15 = arith.constant 0 : i32
        %dma_wait3A_16 = tpu.memref_slice %arg4[%mul3A_4, %dma_wait3A_15] : memref<64x768xf32, #tpu.memory_space<hbm>> -> memref<8x768xf32, #tpu.memory_space<hbm>>
        tpu.wait_dma2 semaphore(%run_scoped3A : memref<!tpu.dma_semaphore, #tpu.memory_space<semaphore_mem>>) src(%arg6 : memref<8x768xf32, #tpu.memory_space<vmem>>) dst(%dma_wait3A_16 : memref<8x768xf32, #tpu.memory_space<hbm>>)
        tpu.yield
      }) : () -> ()
    } else {
    }
    return
  }
}

module attributes {stable_mosaic.version = 14 : i64} {
  func.func @body(%arg0: memref<64x1024x768xf32, #tpu.memory_space<any>>, %arg1: memref<64x1x768xf32, #tpu.memory_space<vmem>>, %arg2: memref<1x768xf32, #tpu.memory_space<vmem>>, %arg3: memref<1x768xf32, #tpu.memory_space<vmem>>, %arg4: memref<64x1024x768xf32, #tpu.memory_space<any>>, %arg5: memref<4x1024x768xf32, #tpu.memory_space<vmem>>, %arg6: memref<4x1024x768xf32, #tpu.memory_space<vmem>>, %arg7: memref<4x!tpu.dma_semaphore, #tpu.memory_space<semaphore_mem>>, %arg8: memref<4x!tpu.dma_semaphore, #tpu.memory_space<semaphore_mem>>) attributes {dimension_semantics = [], scalar_prefetch = 0 : i64, scratch_operands = 4 : i64, tpu.core_type = #tpu.core_type<tc>} {
    %dma_start3A = arith.constant 0 : i32
    %dma_start3A_0 = arith.constant 0 : i32
    %dma_start3A_1 = arith.constant 0 : i32
    %dma_start3A_2 = tpu.memref_slice %arg7[%dma_start3A_1] : memref<4x!tpu.dma_semaphore, #tpu.memory_space<semaphore_mem>> -> memref<1x!tpu.dma_semaphore, #tpu.memory_space<semaphore_mem>>
    %dma_start3A_3 = tpu.memref_squeeze %dma_start3A_2 : memref<1x!tpu.dma_semaphore, #tpu.memory_space<semaphore_mem>> -> memref<!tpu.dma_semaphore, #tpu.memory_space<semaphore_mem>>
    %dma_start3A_4 = arith.constant 0 : i32
    %dma_start3A_5 = arith.constant 0 : i32
    %dma_start3A_6 = tpu.memref_slice %arg5[%dma_start3A_0, %dma_start3A_4, %dma_start3A_5] : memref<4x1024x768xf32, #tpu.memory_space<vmem>> -> memref<1x1024x768xf32, #tpu.memory_space<vmem>>
    %dma_start3A_7 = tpu.memref_squeeze %dma_start3A_6 : memref<1x1024x768xf32, #tpu.memory_space<vmem>> -> memref<1024x768xf32, #tpu.memory_space<vmem>>
    %dma_start3A_8 = arith.constant 0 : i32
    %dma_start3A_9 = arith.constant 0 : i32
    %dma_start3A_10 = tpu.memref_slice %arg0[%dma_start3A, %dma_start3A_8, %dma_start3A_9] : memref<64x1024x768xf32, #tpu.memory_space<any>> -> memref<1x1024x768xf32, #tpu.memory_space<any>>
    %dma_start3A_11 = tpu.memref_squeeze %dma_start3A_10 : memref<1x1024x768xf32, #tpu.memory_space<any>> -> memref<1024x768xf32, #tpu.memory_space<any>>
    tpu.enqueue_dma source(%dma_start3A_11 : memref<1024x768xf32, #tpu.memory_space<any>>) target(%dma_start3A_7 : memref<1024x768xf32, #tpu.memory_space<vmem>>) target_semaphore(%dma_start3A_3 : memref<!tpu.dma_semaphore, #tpu.memory_space<semaphore_mem>>)
    %dma_start3A_12 = arith.constant 1 : i32
    %dma_start3A_13 = arith.constant 1 : i32
    %dma_start3A_14 = arith.constant 1 : i32
    %dma_start3A_15 = tpu.memref_slice %arg7[%dma_start3A_14] : memref<4x!tpu.dma_semaphore, #tpu.memory_space<semaphore_mem>> -> memref<1x!tpu.dma_semaphore, #tpu.memory_space<semaphore_mem>>
    %dma_start3A_16 = tpu.memref_squeeze %dma_start3A_15 : memref<1x!tpu.dma_semaphore, #tpu.memory_space<semaphore_mem>> -> memref<!tpu.dma_semaphore, #tpu.memory_space<semaphore_mem>>
    %dma_start3A_17 = arith.constant 0 : i32
    %dma_start3A_18 = arith.constant 0 : i32
    %dma_start3A_19 = tpu.memref_slice %arg5[%dma_start3A_13, %dma_start3A_17, %dma_start3A_18] : memref<4x1024x768xf32, #tpu.memory_space<vmem>> -> memref<1x1024x768xf32, #tpu.memory_space<vmem>>
    %dma_start3A_20 = tpu.memref_squeeze %dma_start3A_19 : memref<1x1024x768xf32, #tpu.memory_space<vmem>> -> memref<1024x768xf32, #tpu.memory_space<vmem>>
    %dma_start3A_21 = arith.constant 0 : i32
    %dma_start3A_22 = arith.constant 0 : i32
    %dma_start3A_23 = tpu.memref_slice %arg0[%dma_start3A_12, %dma_start3A_21, %dma_start3A_22] : memref<64x1024x768xf32, #tpu.memory_space<any>> -> memref<1x1024x768xf32, #tpu.memory_space<any>>
    %dma_start3A_24 = tpu.memref_squeeze %dma_start3A_23 : memref<1x1024x768xf32, #tpu.memory_space<any>> -> memref<1024x768xf32, #tpu.memory_space<any>>
    tpu.enqueue_dma source(%dma_start3A_24 : memref<1024x768xf32, #tpu.memory_space<any>>) target(%dma_start3A_20 : memref<1024x768xf32, #tpu.memory_space<vmem>>) target_semaphore(%dma_start3A_16 : memref<!tpu.dma_semaphore, #tpu.memory_space<semaphore_mem>>)
    %dma_start3A_25 = arith.constant 2 : i32
    %dma_start3A_26 = arith.constant 2 : i32
    %dma_start3A_27 = arith.constant 2 : i32
    %dma_start3A_28 = tpu.memref_slice %arg7[%dma_start3A_27] : memref<4x!tpu.dma_semaphore, #tpu.memory_space<semaphore_mem>> -> memref<1x!tpu.dma_semaphore, #tpu.memory_space<semaphore_mem>>
    %dma_start3A_29 = tpu.memref_squeeze %dma_start3A_28 : memref<1x!tpu.dma_semaphore, #tpu.memory_space<semaphore_mem>> -> memref<!tpu.dma_semaphore, #tpu.memory_space<semaphore_mem>>
    %dma_start3A_30 = arith.constant 0 : i32
    %dma_start3A_31 = arith.constant 0 : i32
    %dma_start3A_32 = tpu.memref_slice %arg5[%dma_start3A_26, %dma_start3A_30, %dma_start3A_31] : memref<4x1024x768xf32, #tpu.memory_space<vmem>> -> memref<1x1024x768xf32, #tpu.memory_space<vmem>>
    %dma_start3A_33 = tpu.memref_squeeze %dma_start3A_32 : memref<1x1024x768xf32, #tpu.memory_space<vmem>> -> memref<1024x768xf32, #tpu.memory_space<vmem>>
    %dma_start3A_34 = arith.constant 0 : i32
    %dma_start3A_35 = arith.constant 0 : i32
    %dma_start3A_36 = tpu.memref_slice %arg0[%dma_start3A_25, %dma_start3A_34, %dma_start3A_35] : memref<64x1024x768xf32, #tpu.memory_space<any>> -> memref<1x1024x768xf32, #tpu.memory_space<any>>
    %dma_start3A_37 = tpu.memref_squeeze %dma_start3A_36 : memref<1x1024x768xf32, #tpu.memory_space<any>> -> memref<1024x768xf32, #tpu.memory_space<any>>
    tpu.enqueue_dma source(%dma_start3A_37 : memref<1024x768xf32, #tpu.memory_space<any>>) target(%dma_start3A_33 : memref<1024x768xf32, #tpu.memory_space<vmem>>) target_semaphore(%dma_start3A_29 : memref<!tpu.dma_semaphore, #tpu.memory_space<semaphore_mem>>)
    %dma_start3A_38 = arith.constant 3 : i32
    %dma_start3A_39 = arith.constant 3 : i32
    %dma_start3A_40 = arith.constant 3 : i32
    %dma_start3A_41 = tpu.memref_slice %arg7[%dma_start3A_40] : memref<4x!tpu.dma_semaphore, #tpu.memory_space<semaphore_mem>> -> memref<1x!tpu.dma_semaphore, #tpu.memory_space<semaphore_mem>>
    %dma_start3A_42 = tpu.memref_squeeze %dma_start3A_41 : memref<1x!tpu.dma_semaphore, #tpu.memory_space<semaphore_mem>> -> memref<!tpu.dma_semaphore, #tpu.memory_space<semaphore_mem>>
    %dma_start3A_43 = arith.constant 0 : i32
    %dma_start3A_44 = arith.constant 0 : i32
    %dma_start3A_45 = tpu.memref_slice %arg5[%dma_start3A_39, %dma_start3A_43, %dma_start3A_44] : memref<4x1024x768xf32, #tpu.memory_space<vmem>> -> memref<1x1024x768xf32, #tpu.memory_space<vmem>>
    %dma_start3A_46 = tpu.memref_squeeze %dma_start3A_45 : memref<1x1024x768xf32, #tpu.memory_space<vmem>> -> memref<1024x768xf32, #tpu.memory_space<vmem>>
    %dma_start3A_47 = arith.constant 0 : i32
    %dma_start3A_48 = arith.constant 0 : i32
    %dma_start3A_49 = tpu.memref_slice %arg0[%dma_start3A_38, %dma_start3A_47, %dma_start3A_48] : memref<64x1024x768xf32, #tpu.memory_space<any>> -> memref<1x1024x768xf32, #tpu.memory_space<any>>
    %dma_start3A_50 = tpu.memref_squeeze %dma_start3A_49 : memref<1x1024x768xf32, #tpu.memory_space<any>> -> memref<1024x768xf32, #tpu.memory_space<any>>
    tpu.enqueue_dma source(%dma_start3A_50 : memref<1024x768xf32, #tpu.memory_space<any>>) target(%dma_start3A_46 : memref<1024x768xf32, #tpu.memory_space<vmem>>) target_semaphore(%dma_start3A_42 : memref<!tpu.dma_semaphore, #tpu.memory_space<semaphore_mem>>)
    %scan3A = arith.constant 0 : i32
    %scan3A_51 = arith.constant 16 : i32
    %scan3A_52 = arith.addi %scan3A, %scan3A_51 : i32
    %scan3A_53 = arith.constant 1 : i32
    scf.for %scan3A_106 = %scan3A to %scan3A_52 step %scan3A_53  : i32 {
      %mul3A = arith.constant 4 : i32
      %mul3A_107 = arith.muli %scan3A_106, %mul3A : i32
      %add3A = arith.constant 0 : i32
      %add3A_108 = arith.addi %mul3A_107, %add3A : i32
      %dma_wait3A_109 = arith.constant 0 : i32
      %dma_wait3A_110 = arith.constant 0 : i32
      %dma_wait3A_111 = tpu.memref_slice %arg7[%dma_wait3A_110] : memref<4x!tpu.dma_semaphore, #tpu.memory_space<semaphore_mem>> -> memref<1x!tpu.dma_semaphore, #tpu.memory_space<semaphore_mem>>
      %dma_wait3A_112 = tpu.memref_squeeze %dma_wait3A_111 : memref<1x!tpu.dma_semaphore, #tpu.memory_space<semaphore_mem>> -> memref<!tpu.dma_semaphore, #tpu.memory_space<semaphore_mem>>
      %dma_wait3A_113 = arith.constant 0 : i32
      %dma_wait3A_114 = arith.constant 0 : i32
      %dma_wait3A_115 = tpu.memref_slice %arg5[%dma_wait3A_109, %dma_wait3A_113, %dma_wait3A_114] : memref<4x1024x768xf32, #tpu.memory_space<vmem>> -> memref<1x1024x768xf32, #tpu.memory_space<vmem>>
      %dma_wait3A_116 = tpu.memref_squeeze %dma_wait3A_115 : memref<1x1024x768xf32, #tpu.memory_space<vmem>> -> memref<1024x768xf32, #tpu.memory_space<vmem>>
      %dma_wait3A_117 = arith.constant 0 : i32
      %dma_wait3A_118 = arith.constant 0 : i32
      %dma_wait3A_119 = tpu.memref_slice %arg0[%add3A_108, %dma_wait3A_117, %dma_wait3A_118] : memref<64x1024x768xf32, #tpu.memory_space<any>> -> memref<1x1024x768xf32, #tpu.memory_space<any>>
      %dma_wait3A_120 = tpu.memref_squeeze %dma_wait3A_119 : memref<1x1024x768xf32, #tpu.memory_space<any>> -> memref<1024x768xf32, #tpu.memory_space<any>>
      tpu.wait_dma2 semaphore(%dma_wait3A_112 : memref<!tpu.dma_semaphore, #tpu.memory_space<semaphore_mem>>) src(%dma_wait3A_120 : memref<1024x768xf32, #tpu.memory_space<any>>) dst(%dma_wait3A_116 : memref<1024x768xf32, #tpu.memory_space<vmem>>)
      %gt3A = arith.constant 0 : i32
      %gt3A_121 = arith.cmpi sgt, %scan3A_106, %gt3A : i32
      %convert_element_type3A = arith.extui %gt3A_121 : i1 to i32
      %cond3A = arith.constant 0 : i32
      %cond3A_122 = arith.cmpi ne, %convert_element_type3A, %cond3A : i32
      scf.if %cond3A_122 {
        %sub3A_450 = arith.constant 4 : i32
        %sub3A_451 = arith.subi %add3A_108, %sub3A_450 : i32
        %dma_wait3A_452 = arith.constant 0 : i32
        %dma_wait3A_453 = arith.constant 0 : i32
        %dma_wait3A_454 = tpu.memref_slice %arg8[%dma_wait3A_453] : memref<4x!tpu.dma_semaphore, #tpu.memory_space<semaphore_mem>> -> memref<1x!tpu.dma_semaphore, #tpu.memory_space<semaphore_mem>>
        %dma_wait3A_455 = tpu.memref_squeeze %dma_wait3A_454 : memref<1x!tpu.dma_semaphore, #tpu.memory_space<semaphore_mem>> -> memref<!tpu.dma_semaphore, #tpu.memory_space<semaphore_mem>>
        %dma_wait3A_456 = arith.constant 0 : i32
        %dma_wait3A_457 = arith.constant 0 : i32
        %dma_wait3A_458 = tpu.memref_slice %arg4[%sub3A_451, %dma_wait3A_456, %dma_wait3A_457] : memref<64x1024x768xf32, #tpu.memory_space<any>> -> memref<1x1024x768xf32, #tpu.memory_space<any>>
        %dma_wait3A_459 = tpu.memref_squeeze %dma_wait3A_458 : memref<1x1024x768xf32, #tpu.memory_space<any>> -> memref<1024x768xf32, #tpu.memory_space<any>>
        %dma_wait3A_460 = arith.constant 0 : i32
        %dma_wait3A_461 = arith.constant 0 : i32
        %dma_wait3A_462 = tpu.memref_slice %arg6[%dma_wait3A_452, %dma_wait3A_460, %dma_wait3A_461] : memref<4x1024x768xf32, #tpu.memory_space<vmem>> -> memref<1x1024x768xf32, #tpu.memory_space<vmem>>
        %dma_wait3A_463 = tpu.memref_squeeze %dma_wait3A_462 : memref<1x1024x768xf32, #tpu.memory_space<vmem>> -> memref<1024x768xf32, #tpu.memory_space<vmem>>
        tpu.wait_dma2 semaphore(%dma_wait3A_455 : memref<!tpu.dma_semaphore, #tpu.memory_space<semaphore_mem>>) src(%dma_wait3A_463 : memref<1024x768xf32, #tpu.memory_space<vmem>>) dst(%dma_wait3A_459 : memref<1024x768xf32, #tpu.memory_space<any>>)
      } else {
      }
      %get3A = arith.constant 0 : index
      %get3A_123 = arith.constant 0 : index
      %get3A_124 = arith.constant 0 : index
      %get3A_125 = vector.load %arg5[%get3A, %get3A_123, %get3A_124] : memref<4x1024x768xf32, #tpu.memory_space<vmem>>, vector<1x1024x768xf32>
      %get3A_126 = vector.shape_cast %get3A_125 : vector<1x1024x768xf32> to vector<1024x768xf32>
      %get3A_127 = arith.index_cast %add3A_108 : i32 to index
      %get3A_128 = arith.constant 0 : index
      %get3A_129 = arith.constant 0 : index
      %get3A_130 = vector.load %arg1[%get3A_127, %get3A_128, %get3A_129] : memref<64x1x768xf32, #tpu.memory_space<vmem>>, vector<1x1x768xf32>
      %get3A_131 = vector.shape_cast %get3A_130 : vector<1x1x768xf32> to vector<1x768xf32>
      %add3A_132 = vector.broadcast %get3A_131 : vector<1x768xf32> to vector<1024x768xf32>
      %add3A_133 = arith.addf %get3A_126, %add3A_132 : vector<1024x768xf32>
      %reduce_sum3A = arith.constant dense<0.000000e+00> : vector<1024xf32>
      %reduce_sum3A_134 = vector.multi_reduction <add>, %add3A_133, %reduce_sum3A [1] : vector<1024x768xf32> to vector<1024xf32>
      %broadcast_in_dim3A = vector.shape_cast %reduce_sum3A_134 : vector<1024xf32> to vector<1024x1xf32>
      %div3A = arith.constant 7.680000e+02 : f32
      %div3A_135 = vector.broadcast %div3A : f32 to vector<1024x1xf32>
      %div3A_136 = arith.divf %broadcast_in_dim3A, %div3A_135 : vector<1024x1xf32>
      %mul3A_137 = arith.mulf %add3A_133, %add3A_133 : vector<1024x768xf32>
      %reduce_sum3A_138 = arith.constant dense<0.000000e+00> : vector<1024xf32>
      %reduce_sum3A_139 = vector.multi_reduction <add>, %mul3A_137, %reduce_sum3A_138 [1] : vector<1024x768xf32> to vector<1024xf32>
      %broadcast_in_dim3A_140 = vector.shape_cast %reduce_sum3A_139 : vector<1024xf32> to vector<1024x1xf32>
      %div3A_141 = arith.constant 7.680000e+02 : f32
      %div3A_142 = vector.broadcast %div3A_141 : f32 to vector<1024x1xf32>
      %div3A_143 = arith.divf %broadcast_in_dim3A_140, %div3A_142 : vector<1024x1xf32>
      %mul3A_144 = arith.mulf %div3A_136, %div3A_136 : vector<1024x1xf32>
      %sub3A = arith.subf %div3A_143, %mul3A_144 : vector<1024x1xf32>
      %add3A_145 = arith.constant 9.99999997E-7 : f32
      %add3A_146 = vector.broadcast %add3A_145 : f32 to vector<1024x1xf32>
      %add3A_147 = arith.addf %sub3A, %add3A_146 : vector<1024x1xf32>
      %rsqrt3A = math.rsqrt %add3A_147 : vector<1024x1xf32>
      %sub3A_148 = vector.broadcast %div3A_136 : vector<1024x1xf32> to vector<1024x768xf32>
      %sub3A_149 = arith.subf %add3A_133, %sub3A_148 : vector<1024x768xf32>
      %get3A_150 = arith.constant 0 : index
      %get3A_151 = arith.constant 0 : index
      %get3A_152 = vector.load %arg2[%get3A_150, %get3A_151] : memref<1x768xf32, #tpu.memory_space<vmem>>, vector<1x768xf32>
      %mul3A_153 = vector.broadcast %rsqrt3A : vector<1024x1xf32> to vector<1024x768xf32>
      %mul3A_154 = vector.broadcast %get3A_152 : vector<1x768xf32> to vector<1024x768xf32>
      %mul3A_155 = arith.mulf %mul3A_153, %mul3A_154 : vector<1024x768xf32>
      %mul3A_156 = arith.mulf %sub3A_149, %mul3A_155 : vector<1024x768xf32>
      %get3A_157 = arith.constant 0 : index
      %get3A_158 = arith.constant 0 : index
      %get3A_159 = vector.load %arg3[%get3A_157, %get3A_158] : memref<1x768xf32, #tpu.memory_space<vmem>>, vector<1x768xf32>
      %add3A_160 = vector.broadcast %get3A_159 : vector<1x768xf32> to vector<1024x768xf32>
      %add3A_161 = arith.addf %mul3A_156, %add3A_160 : vector<1024x768xf32>
      %swap3A = arith.constant 0 : index
      %swap3A_162 = arith.constant 0 : index
      %swap3A_163 = arith.constant 0 : index
      %swap3A_164 = vector.load %arg6[%swap3A, %swap3A_162, %swap3A_163] : memref<4x1024x768xf32, #tpu.memory_space<vmem>>, vector<1x1024x768xf32>
      %swap3A_165 = vector.shape_cast %swap3A_164 : vector<1x1024x768xf32> to vector<1024x768xf32>
      %swap3A_166 = vector.shape_cast %add3A_161 : vector<1024x768xf32> to vector<1x1024x768xf32>
      tpu.vector_store %arg6[%swap3A, %swap3A_162, %swap3A_163], %swap3A_166 {strides = array<i32>} : memref<4x1024x768xf32, #tpu.memory_space<vmem>>, vector<1x1024x768xf32>,
      %dma_start3A_167 = arith.constant 0 : i32
      %dma_start3A_168 = arith.constant 0 : i32
      %dma_start3A_169 = tpu.memref_slice %arg8[%dma_start3A_168] : memref<4x!tpu.dma_semaphore, #tpu.memory_space<semaphore_mem>> -> memref<1x!tpu.dma_semaphore, #tpu.memory_space<semaphore_mem>>
      %dma_start3A_170 = tpu.memref_squeeze %dma_start3A_169 : memref<1x!tpu.dma_semaphore, #tpu.memory_space<semaphore_mem>> -> memref<!tpu.dma_semaphore, #tpu.memory_space<semaphore_mem>>
      %dma_start3A_171 = arith.constant 0 : i32
      %dma_start3A_172 = arith.constant 0 : i32
      %dma_start3A_173 = tpu.memref_slice %arg4[%add3A_108, %dma_start3A_171, %dma_start3A_172] : memref<64x1024x768xf32, #tpu.memory_space<any>> -> memref<1x1024x768xf32, #tpu.memory_space<any>>
      %dma_start3A_174 = tpu.memref_squeeze %dma_start3A_173 : memref<1x1024x768xf32, #tpu.memory_space<any>> -> memref<1024x768xf32, #tpu.memory_space<any>>
      %dma_start3A_175 = arith.constant 0 : i32
      %dma_start3A_176 = arith.constant 0 : i32
      %dma_start3A_177 = tpu.memref_slice %arg6[%dma_start3A_167, %dma_start3A_175, %dma_start3A_176] : memref<4x1024x768xf32, #tpu.memory_space<vmem>> -> memref<1x1024x768xf32, #tpu.memory_space<vmem>>
      %dma_start3A_178 = tpu.memref_squeeze %dma_start3A_177 : memref<1x1024x768xf32, #tpu.memory_space<vmem>> -> memref<1024x768xf32, #tpu.memory_space<vmem>>
      tpu.enqueue_dma source(%dma_start3A_178 : memref<1024x768xf32, #tpu.memory_space<vmem>>) target(%dma_start3A_174 : memref<1024x768xf32, #tpu.memory_space<any>>) target_semaphore(%dma_start3A_170 : memref<!tpu.dma_semaphore, #tpu.memory_space<semaphore_mem>>)
      %lt3A = arith.constant 15 : i32
      %lt3A_179 = arith.cmpi slt, %scan3A_106, %lt3A : i32
      %convert_element_type3A_180 = arith.extui %lt3A_179 : i1 to i32
      %cond3A_181 = arith.constant 0 : i32
      %cond3A_182 = arith.cmpi ne, %convert_element_type3A_180, %cond3A_181 : i32
      scf.if %cond3A_182 {
        %add3A_450 = arith.constant 4 : i32
        %add3A_451 = arith.addi %add3A_108, %add3A_450 : i32
        %dma_start3A_452 = arith.constant 0 : i32
        %dma_start3A_453 = arith.constant 0 : i32
        %dma_start3A_454 = tpu.memref_slice %arg7[%dma_start3A_453] : memref<4x!tpu.dma_semaphore, #tpu.memory_space<semaphore_mem>> -> memref<1x!tpu.dma_semaphore, #tpu.memory_space<semaphore_mem>>
        %dma_start3A_455 = tpu.memref_squeeze %dma_start3A_454 : memref<1x!tpu.dma_semaphore, #tpu.memory_space<semaphore_mem>> -> memref<!tpu.dma_semaphore, #tpu.memory_space<semaphore_mem>>
        %dma_start3A_456 = arith.constant 0 : i32
        %dma_start3A_457 = arith.constant 0 : i32
        %dma_start3A_458 = tpu.memref_slice %arg5[%dma_start3A_452, %dma_start3A_456, %dma_start3A_457] : memref<4x1024x768xf32, #tpu.memory_space<vmem>> -> memref<1x1024x768xf32, #tpu.memory_space<vmem>>
        %dma_start3A_459 = tpu.memref_squeeze %dma_start3A_458 : memref<1x1024x768xf32, #tpu.memory_space<vmem>> -> memref<1024x768xf32, #tpu.memory_space<vmem>>
        %dma_start3A_460 = arith.constant 0 : i32
        %dma_start3A_461 = arith.constant 0 : i32
        %dma_start3A_462 = tpu.memref_slice %arg0[%add3A_451, %dma_start3A_460, %dma_start3A_461] : memref<64x1024x768xf32, #tpu.memory_space<any>> -> memref<1x1024x768xf32, #tpu.memory_space<any>>
        %dma_start3A_463 = tpu.memref_squeeze %dma_start3A_462 : memref<1x1024x768xf32, #tpu.memory_space<any>> -> memref<1024x768xf32, #tpu.memory_space<any>>
        tpu.enqueue_dma source(%dma_start3A_463 : memref<1024x768xf32, #tpu.memory_space<any>>) target(%dma_start3A_459 : memref<1024x768xf32, #tpu.memory_space<vmem>>) target_semaphore(%dma_start3A_455 : memref<!tpu.dma_semaphore, #tpu.memory_space<semaphore_mem>>)
      } else {
      }
      %mul3A_183 = arith.constant 4 : i32
      %mul3A_184 = arith.muli %scan3A_106, %mul3A_183 : i32
      %add3A_185 = arith.constant 1 : i32
      %add3A_186 = arith.addi %mul3A_184, %add3A_185 : i32
      %dma_wait3A_187 = arith.constant 1 : i32
      %dma_wait3A_188 = arith.constant 1 : i32
      %dma_wait3A_189 = tpu.memref_slice %arg7[%dma_wait3A_188] : memref<4x!tpu.dma_semaphore, #tpu.memory_space<semaphore_mem>> -> memref<1x!tpu.dma_semaphore, #tpu.memory_space<semaphore_mem>>
      %dma_wait3A_190 = tpu.memref_squeeze %dma_wait3A_189 : memref<1x!tpu.dma_semaphore, #tpu.memory_space<semaphore_mem>> -> memref<!tpu.dma_semaphore, #tpu.memory_space<semaphore_mem>>
      %dma_wait3A_191 = arith.constant 0 : i32
      %dma_wait3A_192 = arith.constant 0 : i32
      %dma_wait3A_193 = tpu.memref_slice %arg5[%dma_wait3A_187, %dma_wait3A_191, %dma_wait3A_192] : memref<4x1024x768xf32, #tpu.memory_space<vmem>> -> memref<1x1024x768xf32, #tpu.memory_space<vmem>>
      %dma_wait3A_194 = tpu.memref_squeeze %dma_wait3A_193 : memref<1x1024x768xf32, #tpu.memory_space<vmem>> -> memref<1024x768xf32, #tpu.memory_space<vmem>>
      %dma_wait3A_195 = arith.constant 0 : i32
      %dma_wait3A_196 = arith.constant 0 : i32
      %dma_wait3A_197 = tpu.memref_slice %arg0[%add3A_186, %dma_wait3A_195, %dma_wait3A_196] : memref<64x1024x768xf32, #tpu.memory_space<any>> -> memref<1x1024x768xf32, #tpu.memory_space<any>>
      %dma_wait3A_198 = tpu.memref_squeeze %dma_wait3A_197 : memref<1x1024x768xf32, #tpu.memory_space<any>> -> memref<1024x768xf32, #tpu.memory_space<any>>
      tpu.wait_dma2 semaphore(%dma_wait3A_190 : memref<!tpu.dma_semaphore, #tpu.memory_space<semaphore_mem>>) src(%dma_wait3A_198 : memref<1024x768xf32, #tpu.memory_space<any>>) dst(%dma_wait3A_194 : memref<1024x768xf32, #tpu.memory_space<vmem>>)
      %gt3A_199 = arith.constant 0 : i32
      %gt3A_200 = arith.cmpi sgt, %scan3A_106, %gt3A_199 : i32
      %convert_element_type3A_201 = arith.extui %gt3A_200 : i1 to i32
      %cond3A_202 = arith.constant 0 : i32
      %cond3A_203 = arith.cmpi ne, %convert_element_type3A_201, %cond3A_202 : i32
      scf.if %cond3A_203 {
        %sub3A_450 = arith.constant 4 : i32
        %sub3A_451 = arith.subi %add3A_186, %sub3A_450 : i32
        %dma_wait3A_452 = arith.constant 1 : i32
        %dma_wait3A_453 = arith.constant 1 : i32
        %dma_wait3A_454 = tpu.memref_slice %arg8[%dma_wait3A_453] : memref<4x!tpu.dma_semaphore, #tpu.memory_space<semaphore_mem>> -> memref<1x!tpu.dma_semaphore, #tpu.memory_space<semaphore_mem>>
        %dma_wait3A_455 = tpu.memref_squeeze %dma_wait3A_454 : memref<1x!tpu.dma_semaphore, #tpu.memory_space<semaphore_mem>> -> memref<!tpu.dma_semaphore, #tpu.memory_space<semaphore_mem>>
        %dma_wait3A_456 = arith.constant 0 : i32
        %dma_wait3A_457 = arith.constant 0 : i32
        %dma_wait3A_458 = tpu.memref_slice %arg4[%sub3A_451, %dma_wait3A_456, %dma_wait3A_457] : memref<64x1024x768xf32, #tpu.memory_space<any>> -> memref<1x1024x768xf32, #tpu.memory_space<any>>
        %dma_wait3A_459 = tpu.memref_squeeze %dma_wait3A_458 : memref<1x1024x768xf32, #tpu.memory_space<any>> -> memref<1024x768xf32, #tpu.memory_space<any>>
        %dma_wait3A_460 = arith.constant 0 : i32
        %dma_wait3A_461 = arith.constant 0 : i32
        %dma_wait3A_462 = tpu.memref_slice %arg6[%dma_wait3A_452, %dma_wait3A_460, %dma_wait3A_461] : memref<4x1024x768xf32, #tpu.memory_space<vmem>> -> memref<1x1024x768xf32, #tpu.memory_space<vmem>>
        %dma_wait3A_463 = tpu.memref_squeeze %dma_wait3A_462 : memref<1x1024x768xf32, #tpu.memory_space<vmem>> -> memref<1024x768xf32, #tpu.memory_space<vmem>>
        tpu.wait_dma2 semaphore(%dma_wait3A_455 : memref<!tpu.dma_semaphore, #tpu.memory_space<semaphore_mem>>) src(%dma_wait3A_463 : memref<1024x768xf32, #tpu.memory_space<vmem>>) dst(%dma_wait3A_459 : memref<1024x768xf32, #tpu.memory_space<any>>)
      } else {
      }
      %get3A_204 = arith.constant 1 : index
      %get3A_205 = arith.constant 0 : index
      %get3A_206 = arith.constant 0 : index
      %get3A_207 = vector.load %arg5[%get3A_204, %get3A_205, %get3A_206] : memref<4x1024x768xf32, #tpu.memory_space<vmem>>, vector<1x1024x768xf32>
      %get3A_208 = vector.shape_cast %get3A_207 : vector<1x1024x768xf32> to vector<1024x768xf32>
      %get3A_209 = arith.index_cast %add3A_186 : i32 to index
      %get3A_210 = arith.constant 0 : index
      %get3A_211 = arith.constant 0 : index
      %get3A_212 = vector.load %arg1[%get3A_209, %get3A_210, %get3A_211] : memref<64x1x768xf32, #tpu.memory_space<vmem>>, vector<1x1x768xf32>
      %get3A_213 = vector.shape_cast %get3A_212 : vector<1x1x768xf32> to vector<1x768xf32>
      %add3A_214 = vector.broadcast %get3A_213 : vector<1x768xf32> to vector<1024x768xf32>
      %add3A_215 = arith.addf %get3A_208, %add3A_214 : vector<1024x768xf32>
      %reduce_sum3A_216 = arith.constant dense<0.000000e+00> : vector<1024xf32>
      %reduce_sum3A_217 = vector.multi_reduction <add>, %add3A_215, %reduce_sum3A_216 [1] : vector<1024x768xf32> to vector<1024xf32>
      %broadcast_in_dim3A_218 = vector.shape_cast %reduce_sum3A_217 : vector<1024xf32> to vector<1024x1xf32>
      %div3A_219 = arith.constant 7.680000e+02 : f32
      %div3A_220 = vector.broadcast %div3A_219 : f32 to vector<1024x1xf32>
      %div3A_221 = arith.divf %broadcast_in_dim3A_218, %div3A_220 : vector<1024x1xf32>
      %mul3A_222 = arith.mulf %add3A_215, %add3A_215 : vector<1024x768xf32>
      %reduce_sum3A_223 = arith.constant dense<0.000000e+00> : vector<1024xf32>
      %reduce_sum3A_224 = vector.multi_reduction <add>, %mul3A_222, %reduce_sum3A_223 [1] : vector<1024x768xf32> to vector<1024xf32>
      %broadcast_in_dim3A_225 = vector.shape_cast %reduce_sum3A_224 : vector<1024xf32> to vector<1024x1xf32>
      %div3A_226 = arith.constant 7.680000e+02 : f32
      %div3A_227 = vector.broadcast %div3A_226 : f32 to vector<1024x1xf32>
      %div3A_228 = arith.divf %broadcast_in_dim3A_225, %div3A_227 : vector<1024x1xf32>
      %mul3A_229 = arith.mulf %div3A_221, %div3A_221 : vector<1024x1xf32>
      %sub3A_230 = arith.subf %div3A_228, %mul3A_229 : vector<1024x1xf32>
      %add3A_231 = arith.constant 9.99999997E-7 : f32
      %add3A_232 = vector.broadcast %add3A_231 : f32 to vector<1024x1xf32>
      %add3A_233 = arith.addf %sub3A_230, %add3A_232 : vector<1024x1xf32>
      %rsqrt3A_234 = math.rsqrt %add3A_233 : vector<1024x1xf32>
      %sub3A_235 = vector.broadcast %div3A_221 : vector<1024x1xf32> to vector<1024x768xf32>
      %sub3A_236 = arith.subf %add3A_215, %sub3A_235 : vector<1024x768xf32>
      %get3A_237 = arith.constant 0 : index
      %get3A_238 = arith.constant 0 : index
      %get3A_239 = vector.load %arg2[%get3A_237, %get3A_238] : memref<1x768xf32, #tpu.memory_space<vmem>>, vector<1x768xf32>
      %mul3A_240 = vector.broadcast %rsqrt3A_234 : vector<1024x1xf32> to vector<1024x768xf32>
      %mul3A_241 = vector.broadcast %get3A_239 : vector<1x768xf32> to vector<1024x768xf32>
      %mul3A_242 = arith.mulf %mul3A_240, %mul3A_241 : vector<1024x768xf32>
      %mul3A_243 = arith.mulf %sub3A_236, %mul3A_242 : vector<1024x768xf32>
      %get3A_244 = arith.constant 0 : index
      %get3A_245 = arith.constant 0 : index
      %get3A_246 = vector.load %arg3[%get3A_244, %get3A_245] : memref<1x768xf32, #tpu.memory_space<vmem>>, vector<1x768xf32>
      %add3A_247 = vector.broadcast %get3A_246 : vector<1x768xf32> to vector<1024x768xf32>
      %add3A_248 = arith.addf %mul3A_243, %add3A_247 : vector<1024x768xf32>
      %swap3A_249 = arith.constant 1 : index
      %swap3A_250 = arith.constant 0 : index
      %swap3A_251 = arith.constant 0 : index
      %swap3A_252 = vector.load %arg6[%swap3A_249, %swap3A_250, %swap3A_251] : memref<4x1024x768xf32, #tpu.memory_space<vmem>>, vector<1x1024x768xf32>
      %swap3A_253 = vector.shape_cast %swap3A_252 : vector<1x1024x768xf32> to vector<1024x768xf32>
      %swap3A_254 = vector.shape_cast %add3A_248 : vector<1024x768xf32> to vector<1x1024x768xf32>
      tpu.vector_store %arg6[%swap3A_249, %swap3A_250, %swap3A_251], %swap3A_254 {strides = array<i32>} : memref<4x1024x768xf32, #tpu.memory_space<vmem>>, vector<1x1024x768xf32>,
      %dma_start3A_255 = arith.constant 1 : i32
      %dma_start3A_256 = arith.constant 1 : i32
      %dma_start3A_257 = tpu.memref_slice %arg8[%dma_start3A_256] : memref<4x!tpu.dma_semaphore, #tpu.memory_space<semaphore_mem>> -> memref<1x!tpu.dma_semaphore, #tpu.memory_space<semaphore_mem>>
      %dma_start3A_258 = tpu.memref_squeeze %dma_start3A_257 : memref<1x!tpu.dma_semaphore, #tpu.memory_space<semaphore_mem>> -> memref<!tpu.dma_semaphore, #tpu.memory_space<semaphore_mem>>
      %dma_start3A_259 = arith.constant 0 : i32
      %dma_start3A_260 = arith.constant 0 : i32
      %dma_start3A_261 = tpu.memref_slice %arg4[%add3A_186, %dma_start3A_259, %dma_start3A_260] : memref<64x1024x768xf32, #tpu.memory_space<any>> -> memref<1x1024x768xf32, #tpu.memory_space<any>>
      %dma_start3A_262 = tpu.memref_squeeze %dma_start3A_261 : memref<1x1024x768xf32, #tpu.memory_space<any>> -> memref<1024x768xf32, #tpu.memory_space<any>>
      %dma_start3A_263 = arith.constant 0 : i32
      %dma_start3A_264 = arith.constant 0 : i32
      %dma_start3A_265 = tpu.memref_slice %arg6[%dma_start3A_255, %dma_start3A_263, %dma_start3A_264] : memref<4x1024x768xf32, #tpu.memory_space<vmem>> -> memref<1x1024x768xf32, #tpu.memory_space<vmem>>
      %dma_start3A_266 = tpu.memref_squeeze %dma_start3A_265 : memref<1x1024x768xf32, #tpu.memory_space<vmem>> -> memref<1024x768xf32, #tpu.memory_space<vmem>>
      tpu.enqueue_dma source(%dma_start3A_266 : memref<1024x768xf32, #tpu.memory_space<vmem>>) target(%dma_start3A_262 : memref<1024x768xf32, #tpu.memory_space<any>>) target_semaphore(%dma_start3A_258 : memref<!tpu.dma_semaphore, #tpu.memory_space<semaphore_mem>>)
      %lt3A_267 = arith.constant 15 : i32
      %lt3A_268 = arith.cmpi slt, %scan3A_106, %lt3A_267 : i32
      %convert_element_type3A_269 = arith.extui %lt3A_268 : i1 to i32
      %cond3A_270 = arith.constant 0 : i32
      %cond3A_271 = arith.cmpi ne, %convert_element_type3A_269, %cond3A_270 : i32
      scf.if %cond3A_271 {
        %add3A_450 = arith.constant 4 : i32
        %add3A_451 = arith.addi %add3A_186, %add3A_450 : i32
        %dma_start3A_452 = arith.constant 1 : i32
        %dma_start3A_453 = arith.constant 1 : i32
        %dma_start3A_454 = tpu.memref_slice %arg7[%dma_start3A_453] : memref<4x!tpu.dma_semaphore, #tpu.memory_space<semaphore_mem>> -> memref<1x!tpu.dma_semaphore, #tpu.memory_space<semaphore_mem>>
        %dma_start3A_455 = tpu.memref_squeeze %dma_start3A_454 : memref<1x!tpu.dma_semaphore, #tpu.memory_space<semaphore_mem>> -> memref<!tpu.dma_semaphore, #tpu.memory_space<semaphore_mem>>
        %dma_start3A_456 = arith.constant 0 : i32
        %dma_start3A_457 = arith.constant 0 : i32
        %dma_start3A_458 = tpu.memref_slice %arg5[%dma_start3A_452, %dma_start3A_456, %dma_start3A_457] : memref<4x1024x768xf32, #tpu.memory_space<vmem>> -> memref<1x1024x768xf32, #tpu.memory_space<vmem>>
        %dma_start3A_459 = tpu.memref_squeeze %dma_start3A_458 : memref<1x1024x768xf32, #tpu.memory_space<vmem>> -> memref<1024x768xf32, #tpu.memory_space<vmem>>
        %dma_start3A_460 = arith.constant 0 : i32
        %dma_start3A_461 = arith.constant 0 : i32
        %dma_start3A_462 = tpu.memref_slice %arg0[%add3A_451, %dma_start3A_460, %dma_start3A_461] : memref<64x1024x768xf32, #tpu.memory_space<any>> -> memref<1x1024x768xf32, #tpu.memory_space<any>>
        %dma_start3A_463 = tpu.memref_squeeze %dma_start3A_462 : memref<1x1024x768xf32, #tpu.memory_space<any>> -> memref<1024x768xf32, #tpu.memory_space<any>>
        tpu.enqueue_dma source(%dma_start3A_463 : memref<1024x768xf32, #tpu.memory_space<any>>) target(%dma_start3A_459 : memref<1024x768xf32, #tpu.memory_space<vmem>>) target_semaphore(%dma_start3A_455 : memref<!tpu.dma_semaphore, #tpu.memory_space<semaphore_mem>>)
      } else {
      }
      %mul3A_272 = arith.constant 4 : i32
      %mul3A_273 = arith.muli %scan3A_106, %mul3A_272 : i32
      %add3A_274 = arith.constant 2 : i32
      %add3A_275 = arith.addi %mul3A_273, %add3A_274 : i32
      %dma_wait3A_276 = arith.constant 2 : i32
      %dma_wait3A_277 = arith.constant 2 : i32
      %dma_wait3A_278 = tpu.memref_slice %arg7[%dma_wait3A_277] : memref<4x!tpu.dma_semaphore, #tpu.memory_space<semaphore_mem>> -> memref<1x!tpu.dma_semaphore, #tpu.memory_space<semaphore_mem>>
      %dma_wait3A_279 = tpu.memref_squeeze %dma_wait3A_278 : memref<1x!tpu.dma_semaphore, #tpu.memory_space<semaphore_mem>> -> memref<!tpu.dma_semaphore, #tpu.memory_space<semaphore_mem>>
      %dma_wait3A_280 = arith.constant 0 : i32
      %dma_wait3A_281 = arith.constant 0 : i32
      %dma_wait3A_282 = tpu.memref_slice %arg5[%dma_wait3A_276, %dma_wait3A_280, %dma_wait3A_281] : memref<4x1024x768xf32, #tpu.memory_space<vmem>> -> memref<1x1024x768xf32, #tpu.memory_space<vmem>>
      %dma_wait3A_283 = tpu.memref_squeeze %dma_wait3A_282 : memref<1x1024x768xf32, #tpu.memory_space<vmem>> -> memref<1024x768xf32, #tpu.memory_space<vmem>>
      %dma_wait3A_284 = arith.constant 0 : i32
      %dma_wait3A_285 = arith.constant 0 : i32
      %dma_wait3A_286 = tpu.memref_slice %arg0[%add3A_275, %dma_wait3A_284, %dma_wait3A_285] : memref<64x1024x768xf32, #tpu.memory_space<any>> -> memref<1x1024x768xf32, #tpu.memory_space<any>>
      %dma_wait3A_287 = tpu.memref_squeeze %dma_wait3A_286 : memref<1x1024x768xf32, #tpu.memory_space<any>> -> memref<1024x768xf32, #tpu.memory_space<any>>
      tpu.wait_dma2 semaphore(%dma_wait3A_279 : memref<!tpu.dma_semaphore, #tpu.memory_space<semaphore_mem>>) src(%dma_wait3A_287 : memref<1024x768xf32, #tpu.memory_space<any>>) dst(%dma_wait3A_283 : memref<1024x768xf32, #tpu.memory_space<vmem>>)
      %gt3A_288 = arith.constant 0 : i32
      %gt3A_289 = arith.cmpi sgt, %scan3A_106, %gt3A_288 : i32
      %convert_element_type3A_290 = arith.extui %gt3A_289 : i1 to i32
      %cond3A_291 = arith.constant 0 : i32
      %cond3A_292 = arith.cmpi ne, %convert_element_type3A_290, %cond3A_291 : i32
      scf.if %cond3A_292 {
        %sub3A_450 = arith.constant 4 : i32
        %sub3A_451 = arith.subi %add3A_275, %sub3A_450 : i32
        %dma_wait3A_452 = arith.constant 2 : i32
        %dma_wait3A_453 = arith.constant 2 : i32
        %dma_wait3A_454 = tpu.memref_slice %arg8[%dma_wait3A_453] : memref<4x!tpu.dma_semaphore, #tpu.memory_space<semaphore_mem>> -> memref<1x!tpu.dma_semaphore, #tpu.memory_space<semaphore_mem>>
        %dma_wait3A_455 = tpu.memref_squeeze %dma_wait3A_454 : memref<1x!tpu.dma_semaphore, #tpu.memory_space<semaphore_mem>> -> memref<!tpu.dma_semaphore, #tpu.memory_space<semaphore_mem>>
        %dma_wait3A_456 = arith.constant 0 : i32
        %dma_wait3A_457 = arith.constant 0 : i32
        %dma_wait3A_458 = tpu.memref_slice %arg4[%sub3A_451, %dma_wait3A_456, %dma_wait3A_457] : memref<64x1024x768xf32, #tpu.memory_space<any>> -> memref<1x1024x768xf32, #tpu.memory_space<any>>
        %dma_wait3A_459 = tpu.memref_squeeze %dma_wait3A_458 : memref<1x1024x768xf32, #tpu.memory_space<any>> -> memref<1024x768xf32, #tpu.memory_space<any>>
        %dma_wait3A_460 = arith.constant 0 : i32
        %dma_wait3A_461 = arith.constant 0 : i32
        %dma_wait3A_462 = tpu.memref_slice %arg6[%dma_wait3A_452, %dma_wait3A_460, %dma_wait3A_461] : memref<4x1024x768xf32, #tpu.memory_space<vmem>> -> memref<1x1024x768xf32, #tpu.memory_space<vmem>>
        %dma_wait3A_463 = tpu.memref_squeeze %dma_wait3A_462 : memref<1x1024x768xf32, #tpu.memory_space<vmem>> -> memref<1024x768xf32, #tpu.memory_space<vmem>>
        tpu.wait_dma2 semaphore(%dma_wait3A_455 : memref<!tpu.dma_semaphore, #tpu.memory_space<semaphore_mem>>) src(%dma_wait3A_463 : memref<1024x768xf32, #tpu.memory_space<vmem>>) dst(%dma_wait3A_459 : memref<1024x768xf32, #tpu.memory_space<any>>)
      } else {
      }
      %get3A_293 = arith.constant 2 : index
      %get3A_294 = arith.constant 0 : index
      %get3A_295 = arith.constant 0 : index
      %get3A_296 = vector.load %arg5[%get3A_293, %get3A_294, %get3A_295] : memref<4x1024x768xf32, #tpu.memory_space<vmem>>, vector<1x1024x768xf32>
      %get3A_297 = vector.shape_cast %get3A_296 : vector<1x1024x768xf32> to vector<1024x768xf32>
      %get3A_298 = arith.index_cast %add3A_275 : i32 to index
      %get3A_299 = arith.constant 0 : index
      %get3A_300 = arith.constant 0 : index
      %get3A_301 = vector.load %arg1[%get3A_298, %get3A_299, %get3A_300] : memref<64x1x768xf32, #tpu.memory_space<vmem>>, vector<1x1x768xf32>
      %get3A_302 = vector.shape_cast %get3A_301 : vector<1x1x768xf32> to vector<1x768xf32>
      %add3A_303 = vector.broadcast %get3A_302 : vector<1x768xf32> to vector<1024x768xf32>
      %add3A_304 = arith.addf %get3A_297, %add3A_303 : vector<1024x768xf32>
      %reduce_sum3A_305 = arith.constant dense<0.000000e+00> : vector<1024xf32>
      %reduce_sum3A_306 = vector.multi_reduction <add>, %add3A_304, %reduce_sum3A_305 [1] : vector<1024x768xf32> to vector<1024xf32>
      %broadcast_in_dim3A_307 = vector.shape_cast %reduce_sum3A_306 : vector<1024xf32> to vector<1024x1xf32>
      %div3A_308 = arith.constant 7.680000e+02 : f32
      %div3A_309 = vector.broadcast %div3A_308 : f32 to vector<1024x1xf32>
      %div3A_310 = arith.divf %broadcast_in_dim3A_307, %div3A_309 : vector<1024x1xf32>
      %mul3A_311 = arith.mulf %add3A_304, %add3A_304 : vector<1024x768xf32>
      %reduce_sum3A_312 = arith.constant dense<0.000000e+00> : vector<1024xf32>
      %reduce_sum3A_313 = vector.multi_reduction <add>, %mul3A_311, %reduce_sum3A_312 [1] : vector<1024x768xf32> to vector<1024xf32>
      %broadcast_in_dim3A_314 = vector.shape_cast %reduce_sum3A_313 : vector<1024xf32> to vector<1024x1xf32>
      %div3A_315 = arith.constant 7.680000e+02 : f32
      %div3A_316 = vector.broadcast %div3A_315 : f32 to vector<1024x1xf32>
      %div3A_317 = arith.divf %broadcast_in_dim3A_314, %div3A_316 : vector<1024x1xf32>
      %mul3A_318 = arith.mulf %div3A_310, %div3A_310 : vector<1024x1xf32>
      %sub3A_319 = arith.subf %div3A_317, %mul3A_318 : vector<1024x1xf32>
      %add3A_320 = arith.constant 9.99999997E-7 : f32
      %add3A_321 = vector.broadcast %add3A_320 : f32 to vector<1024x1xf32>
      %add3A_322 = arith.addf %sub3A_319, %add3A_321 : vector<1024x1xf32>
      %rsqrt3A_323 = math.rsqrt %add3A_322 : vector<1024x1xf32>
      %sub3A_324 = vector.broadcast %div3A_310 : vector<1024x1xf32> to vector<1024x768xf32>
      %sub3A_325 = arith.subf %add3A_304, %sub3A_324 : vector<1024x768xf32>
      %get3A_326 = arith.constant 0 : index
      %get3A_327 = arith.constant 0 : index
      %get3A_328 = vector.load %arg2[%get3A_326, %get3A_327] : memref<1x768xf32, #tpu.memory_space<vmem>>, vector<1x768xf32>
      %mul3A_329 = vector.broadcast %rsqrt3A_323 : vector<1024x1xf32> to vector<1024x768xf32>
      %mul3A_330 = vector.broadcast %get3A_328 : vector<1x768xf32> to vector<1024x768xf32>
      %mul3A_331 = arith.mulf %mul3A_329, %mul3A_330 : vector<1024x768xf32>
      %mul3A_332 = arith.mulf %sub3A_325, %mul3A_331 : vector<1024x768xf32>
      %get3A_333 = arith.constant 0 : index
      %get3A_334 = arith.constant 0 : index
      %get3A_335 = vector.load %arg3[%get3A_333, %get3A_334] : memref<1x768xf32, #tpu.memory_space<vmem>>, vector<1x768xf32>
      %add3A_336 = vector.broadcast %get3A_335 : vector<1x768xf32> to vector<1024x768xf32>
      %add3A_337 = arith.addf %mul3A_332, %add3A_336 : vector<1024x768xf32>
      %swap3A_338 = arith.constant 2 : index
      %swap3A_339 = arith.constant 0 : index
      %swap3A_340 = arith.constant 0 : index
      %swap3A_341 = vector.load %arg6[%swap3A_338, %swap3A_339, %swap3A_340] : memref<4x1024x768xf32, #tpu.memory_space<vmem>>, vector<1x1024x768xf32>
      %swap3A_342 = vector.shape_cast %swap3A_341 : vector<1x1024x768xf32> to vector<1024x768xf32>
      %swap3A_343 = vector.shape_cast %add3A_337 : vector<1024x768xf32> to vector<1x1024x768xf32>
      tpu.vector_store %arg6[%swap3A_338, %swap3A_339, %swap3A_340], %swap3A_343 {strides = array<i32>} : memref<4x1024x768xf32, #tpu.memory_space<vmem>>, vector<1x1024x768xf32>,
      %dma_start3A_344 = arith.constant 2 : i32
      %dma_start3A_345 = arith.constant 2 : i32
      %dma_start3A_346 = tpu.memref_slice %arg8[%dma_start3A_345] : memref<4x!tpu.dma_semaphore, #tpu.memory_space<semaphore_mem>> -> memref<1x!tpu.dma_semaphore, #tpu.memory_space<semaphore_mem>>
      %dma_start3A_347 = tpu.memref_squeeze %dma_start3A_346 : memref<1x!tpu.dma_semaphore, #tpu.memory_space<semaphore_mem>> -> memref<!tpu.dma_semaphore, #tpu.memory_space<semaphore_mem>>
      %dma_start3A_348 = arith.constant 0 : i32
      %dma_start3A_349 = arith.constant 0 : i32
      %dma_start3A_350 = tpu.memref_slice %arg4[%add3A_275, %dma_start3A_348, %dma_start3A_349] : memref<64x1024x768xf32, #tpu.memory_space<any>> -> memref<1x1024x768xf32, #tpu.memory_space<any>>
      %dma_start3A_351 = tpu.memref_squeeze %dma_start3A_350 : memref<1x1024x768xf32, #tpu.memory_space<any>> -> memref<1024x768xf32, #tpu.memory_space<any>>
      %dma_start3A_352 = arith.constant 0 : i32
      %dma_start3A_353 = arith.constant 0 : i32
      %dma_start3A_354 = tpu.memref_slice %arg6[%dma_start3A_344, %dma_start3A_352, %dma_start3A_353] : memref<4x1024x768xf32, #tpu.memory_space<vmem>> -> memref<1x1024x768xf32, #tpu.memory_space<vmem>>
      %dma_start3A_355 = tpu.memref_squeeze %dma_start3A_354 : memref<1x1024x768xf32, #tpu.memory_space<vmem>> -> memref<1024x768xf32, #tpu.memory_space<vmem>>
      tpu.enqueue_dma source(%dma_start3A_355 : memref<1024x768xf32, #tpu.memory_space<vmem>>) target(%dma_start3A_351 : memref<1024x768xf32, #tpu.memory_space<any>>) target_semaphore(%dma_start3A_347 : memref<!tpu.dma_semaphore, #tpu.memory_space<semaphore_mem>>)
      %lt3A_356 = arith.constant 15 : i32
      %lt3A_357 = arith.cmpi slt, %scan3A_106, %lt3A_356 : i32
      %convert_element_type3A_358 = arith.extui %lt3A_357 : i1 to i32
      %cond3A_359 = arith.constant 0 : i32
      %cond3A_360 = arith.cmpi ne, %convert_element_type3A_358, %cond3A_359 : i32
      scf.if %cond3A_360 {
        %add3A_450 = arith.constant 4 : i32
        %add3A_451 = arith.addi %add3A_275, %add3A_450 : i32
        %dma_start3A_452 = arith.constant 2 : i32
        %dma_start3A_453 = arith.constant 2 : i32
        %dma_start3A_454 = tpu.memref_slice %arg7[%dma_start3A_453] : memref<4x!tpu.dma_semaphore, #tpu.memory_space<semaphore_mem>> -> memref<1x!tpu.dma_semaphore, #tpu.memory_space<semaphore_mem>>
        %dma_start3A_455 = tpu.memref_squeeze %dma_start3A_454 : memref<1x!tpu.dma_semaphore, #tpu.memory_space<semaphore_mem>> -> memref<!tpu.dma_semaphore, #tpu.memory_space<semaphore_mem>>
        %dma_start3A_456 = arith.constant 0 : i32
        %dma_start3A_457 = arith.constant 0 : i32
        %dma_start3A_458 = tpu.memref_slice %arg5[%dma_start3A_452, %dma_start3A_456, %dma_start3A_457] : memref<4x1024x768xf32, #tpu.memory_space<vmem>> -> memref<1x1024x768xf32, #tpu.memory_space<vmem>>
        %dma_start3A_459 = tpu.memref_squeeze %dma_start3A_458 : memref<1x1024x768xf32, #tpu.memory_space<vmem>> -> memref<1024x768xf32, #tpu.memory_space<vmem>>
        %dma_start3A_460 = arith.constant 0 : i32
        %dma_start3A_461 = arith.constant 0 : i32
        %dma_start3A_462 = tpu.memref_slice %arg0[%add3A_451, %dma_start3A_460, %dma_start3A_461] : memref<64x1024x768xf32, #tpu.memory_space<any>> -> memref<1x1024x768xf32, #tpu.memory_space<any>>
        %dma_start3A_463 = tpu.memref_squeeze %dma_start3A_462 : memref<1x1024x768xf32, #tpu.memory_space<any>> -> memref<1024x768xf32, #tpu.memory_space<any>>
        tpu.enqueue_dma source(%dma_start3A_463 : memref<1024x768xf32, #tpu.memory_space<any>>) target(%dma_start3A_459 : memref<1024x768xf32, #tpu.memory_space<vmem>>) target_semaphore(%dma_start3A_455 : memref<!tpu.dma_semaphore, #tpu.memory_space<semaphore_mem>>)
      } else {
      }
      %mul3A_361 = arith.constant 4 : i32
      %mul3A_362 = arith.muli %scan3A_106, %mul3A_361 : i32
      %add3A_363 = arith.constant 3 : i32
      %add3A_364 = arith.addi %mul3A_362, %add3A_363 : i32
      %dma_wait3A_365 = arith.constant 3 : i32
      %dma_wait3A_366 = arith.constant 3 : i32
      %dma_wait3A_367 = tpu.memref_slice %arg7[%dma_wait3A_366] : memref<4x!tpu.dma_semaphore, #tpu.memory_space<semaphore_mem>> -> memref<1x!tpu.dma_semaphore, #tpu.memory_space<semaphore_mem>>
      %dma_wait3A_368 = tpu.memref_squeeze %dma_wait3A_367 : memref<1x!tpu.dma_semaphore, #tpu.memory_space<semaphore_mem>> -> memref<!tpu.dma_semaphore, #tpu.memory_space<semaphore_mem>>
      %dma_wait3A_369 = arith.constant 0 : i32
      %dma_wait3A_370 = arith.constant 0 : i32
      %dma_wait3A_371 = tpu.memref_slice %arg5[%dma_wait3A_365, %dma_wait3A_369, %dma_wait3A_370] : memref<4x1024x768xf32, #tpu.memory_space<vmem>> -> memref<1x1024x768xf32, #tpu.memory_space<vmem>>
      %dma_wait3A_372 = tpu.memref_squeeze %dma_wait3A_371 : memref<1x1024x768xf32, #tpu.memory_space<vmem>> -> memref<1024x768xf32, #tpu.memory_space<vmem>>
      %dma_wait3A_373 = arith.constant 0 : i32
      %dma_wait3A_374 = arith.constant 0 : i32
      %dma_wait3A_375 = tpu.memref_slice %arg0[%add3A_364, %dma_wait3A_373, %dma_wait3A_374] : memref<64x1024x768xf32, #tpu.memory_space<any>> -> memref<1x1024x768xf32, #tpu.memory_space<any>>
      %dma_wait3A_376 = tpu.memref_squeeze %dma_wait3A_375 : memref<1x1024x768xf32, #tpu.memory_space<any>> -> memref<1024x768xf32, #tpu.memory_space<any>>
      tpu.wait_dma2 semaphore(%dma_wait3A_368 : memref<!tpu.dma_semaphore, #tpu.memory_space<semaphore_mem>>) src(%dma_wait3A_376 : memref<1024x768xf32, #tpu.memory_space<any>>) dst(%dma_wait3A_372 : memref<1024x768xf32, #tpu.memory_space<vmem>>)
      %gt3A_377 = arith.constant 0 : i32
      %gt3A_378 = arith.cmpi sgt, %scan3A_106, %gt3A_377 : i32
      %convert_element_type3A_379 = arith.extui %gt3A_378 : i1 to i32
      %cond3A_380 = arith.constant 0 : i32
      %cond3A_381 = arith.cmpi ne, %convert_element_type3A_379, %cond3A_380 : i32
      scf.if %cond3A_381 {
        %sub3A_450 = arith.constant 4 : i32
        %sub3A_451 = arith.subi %add3A_364, %sub3A_450 : i32
        %dma_wait3A_452 = arith.constant 3 : i32
        %dma_wait3A_453 = arith.constant 3 : i32
        %dma_wait3A_454 = tpu.memref_slice %arg8[%dma_wait3A_453] : memref<4x!tpu.dma_semaphore, #tpu.memory_space<semaphore_mem>> -> memref<1x!tpu.dma_semaphore, #tpu.memory_space<semaphore_mem>>
        %dma_wait3A_455 = tpu.memref_squeeze %dma_wait3A_454 : memref<1x!tpu.dma_semaphore, #tpu.memory_space<semaphore_mem>> -> memref<!tpu.dma_semaphore, #tpu.memory_space<semaphore_mem>>
        %dma_wait3A_456 = arith.constant 0 : i32
        %dma_wait3A_457 = arith.constant 0 : i32
        %dma_wait3A_458 = tpu.memref_slice %arg4[%sub3A_451, %dma_wait3A_456, %dma_wait3A_457] : memref<64x1024x768xf32, #tpu.memory_space<any>> -> memref<1x1024x768xf32, #tpu.memory_space<any>>
        %dma_wait3A_459 = tpu.memref_squeeze %dma_wait3A_458 : memref<1x1024x768xf32, #tpu.memory_space<any>> -> memref<1024x768xf32, #tpu.memory_space<any>>
        %dma_wait3A_460 = arith.constant 0 : i32
        %dma_wait3A_461 = arith.constant 0 : i32
        %dma_wait3A_462 = tpu.memref_slice %arg6[%dma_wait3A_452, %dma_wait3A_460, %dma_wait3A_461] : memref<4x1024x768xf32, #tpu.memory_space<vmem>> -> memref<1x1024x768xf32, #tpu.memory_space<vmem>>
        %dma_wait3A_463 = tpu.memref_squeeze %dma_wait3A_462 : memref<1x1024x768xf32, #tpu.memory_space<vmem>> -> memref<1024x768xf32, #tpu.memory_space<vmem>>
        tpu.wait_dma2 semaphore(%dma_wait3A_455 : memref<!tpu.dma_semaphore, #tpu.memory_space<semaphore_mem>>) src(%dma_wait3A_463 : memref<1024x768xf32, #tpu.memory_space<vmem>>) dst(%dma_wait3A_459 : memref<1024x768xf32, #tpu.memory_space<any>>)
      } else {
      }
      %get3A_382 = arith.constant 3 : index
      %get3A_383 = arith.constant 0 : index
      %get3A_384 = arith.constant 0 : index
      %get3A_385 = vector.load %arg5[%get3A_382, %get3A_383, %get3A_384] : memref<4x1024x768xf32, #tpu.memory_space<vmem>>, vector<1x1024x768xf32>
      %get3A_386 = vector.shape_cast %get3A_385 : vector<1x1024x768xf32> to vector<1024x768xf32>
      %get3A_387 = arith.index_cast %add3A_364 : i32 to index
      %get3A_388 = arith.constant 0 : index
      %get3A_389 = arith.constant 0 : index
      %get3A_390 = vector.load %arg1[%get3A_387, %get3A_388, %get3A_389] : memref<64x1x768xf32, #tpu.memory_space<vmem>>, vector<1x1x768xf32>
      %get3A_391 = vector.shape_cast %get3A_390 : vector<1x1x768xf32> to vector<1x768xf32>
      %add3A_392 = vector.broadcast %get3A_391 : vector<1x768xf32> to vector<1024x768xf32>
      %add3A_393 = arith.addf %get3A_386, %add3A_392 : vector<1024x768xf32>
      %reduce_sum3A_394 = arith.constant dense<0.000000e+00> : vector<1024xf32>
      %reduce_sum3A_395 = vector.multi_reduction <add>, %add3A_393, %reduce_sum3A_394 [1] : vector<1024x768xf32> to vector<1024xf32>
      %broadcast_in_dim3A_396 = vector.shape_cast %reduce_sum3A_395 : vector<1024xf32> to vector<1024x1xf32>
      %div3A_397 = arith.constant 7.680000e+02 : f32
      %div3A_398 = vector.broadcast %div3A_397 : f32 to vector<1024x1xf32>
      %div3A_399 = arith.divf %broadcast_in_dim3A_396, %div3A_398 : vector<1024x1xf32>
      %mul3A_400 = arith.mulf %add3A_393, %add3A_393 : vector<1024x768xf32>
      %reduce_sum3A_401 = arith.constant dense<0.000000e+00> : vector<1024xf32>
      %reduce_sum3A_402 = vector.multi_reduction <add>, %mul3A_400, %reduce_sum3A_401 [1] : vector<1024x768xf32> to vector<1024xf32>
      %broadcast_in_dim3A_403 = vector.shape_cast %reduce_sum3A_402 : vector<1024xf32> to vector<1024x1xf32>
      %div3A_404 = arith.constant 7.680000e+02 : f32
      %div3A_405 = vector.broadcast %div3A_404 : f32 to vector<1024x1xf32>
      %div3A_406 = arith.divf %broadcast_in_dim3A_403, %div3A_405 : vector<1024x1xf32>
      %mul3A_407 = arith.mulf %div3A_399, %div3A_399 : vector<1024x1xf32>
      %sub3A_408 = arith.subf %div3A_406, %mul3A_407 : vector<1024x1xf32>
      %add3A_409 = arith.constant 9.99999997E-7 : f32
      %add3A_410 = vector.broadcast %add3A_409 : f32 to vector<1024x1xf32>
      %add3A_411 = arith.addf %sub3A_408, %add3A_410 : vector<1024x1xf32>
      %rsqrt3A_412 = math.rsqrt %add3A_411 : vector<1024x1xf32>
      %sub3A_413 = vector.broadcast %div3A_399 : vector<1024x1xf32> to vector<1024x768xf32>
      %sub3A_414 = arith.subf %add3A_393, %sub3A_413 : vector<1024x768xf32>
      %get3A_415 = arith.constant 0 : index
      %get3A_416 = arith.constant 0 : index
      %get3A_417 = vector.load %arg2[%get3A_415, %get3A_416] : memref<1x768xf32, #tpu.memory_space<vmem>>, vector<1x768xf32>
      %mul3A_418 = vector.broadcast %rsqrt3A_412 : vector<1024x1xf32> to vector<1024x768xf32>
      %mul3A_419 = vector.broadcast %get3A_417 : vector<1x768xf32> to vector<1024x768xf32>
      %mul3A_420 = arith.mulf %mul3A_418, %mul3A_419 : vector<1024x768xf32>
      %mul3A_421 = arith.mulf %sub3A_414, %mul3A_420 : vector<1024x768xf32>
      %get3A_422 = arith.constant 0 : index
      %get3A_423 = arith.constant 0 : index
      %get3A_424 = vector.load %arg3[%get3A_422, %get3A_423] : memref<1x768xf32, #tpu.memory_space<vmem>>, vector<1x768xf32>
      %add3A_425 = vector.broadcast %get3A_424 : vector<1x768xf32> to vector<1024x768xf32>
      %add3A_426 = arith.addf %mul3A_421, %add3A_425 : vector<1024x768xf32>
      %swap3A_427 = arith.constant 3 : index
      %swap3A_428 = arith.constant 0 : index
      %swap3A_429 = arith.constant 0 : index
      %swap3A_430 = vector.load %arg6[%swap3A_427, %swap3A_428, %swap3A_429] : memref<4x1024x768xf32, #tpu.memory_space<vmem>>, vector<1x1024x768xf32>
      %swap3A_431 = vector.shape_cast %swap3A_430 : vector<1x1024x768xf32> to vector<1024x768xf32>
      %swap3A_432 = vector.shape_cast %add3A_426 : vector<1024x768xf32> to vector<1x1024x768xf32>
      tpu.vector_store %arg6[%swap3A_427, %swap3A_428, %swap3A_429], %swap3A_432 {strides = array<i32>} : memref<4x1024x768xf32, #tpu.memory_space<vmem>>, vector<1x1024x768xf32>,
      %dma_start3A_433 = arith.constant 3 : i32
      %dma_start3A_434 = arith.constant 3 : i32
      %dma_start3A_435 = tpu.memref_slice %arg8[%dma_start3A_434] : memref<4x!tpu.dma_semaphore, #tpu.memory_space<semaphore_mem>> -> memref<1x!tpu.dma_semaphore, #tpu.memory_space<semaphore_mem>>
      %dma_start3A_436 = tpu.memref_squeeze %dma_start3A_435 : memref<1x!tpu.dma_semaphore, #tpu.memory_space<semaphore_mem>> -> memref<!tpu.dma_semaphore, #tpu.memory_space<semaphore_mem>>
      %dma_start3A_437 = arith.constant 0 : i32
      %dma_start3A_438 = arith.constant 0 : i32
      %dma_start3A_439 = tpu.memref_slice %arg4[%add3A_364, %dma_start3A_437, %dma_start3A_438] : memref<64x1024x768xf32, #tpu.memory_space<any>> -> memref<1x1024x768xf32, #tpu.memory_space<any>>
      %dma_start3A_440 = tpu.memref_squeeze %dma_start3A_439 : memref<1x1024x768xf32, #tpu.memory_space<any>> -> memref<1024x768xf32, #tpu.memory_space<any>>
      %dma_start3A_441 = arith.constant 0 : i32
      %dma_start3A_442 = arith.constant 0 : i32
      %dma_start3A_443 = tpu.memref_slice %arg6[%dma_start3A_433, %dma_start3A_441, %dma_start3A_442] : memref<4x1024x768xf32, #tpu.memory_space<vmem>> -> memref<1x1024x768xf32, #tpu.memory_space<vmem>>
      %dma_start3A_444 = tpu.memref_squeeze %dma_start3A_443 : memref<1x1024x768xf32, #tpu.memory_space<vmem>> -> memref<1024x768xf32, #tpu.memory_space<vmem>>
      tpu.enqueue_dma source(%dma_start3A_444 : memref<1024x768xf32, #tpu.memory_space<vmem>>) target(%dma_start3A_440 : memref<1024x768xf32, #tpu.memory_space<any>>) target_semaphore(%dma_start3A_436 : memref<!tpu.dma_semaphore, #tpu.memory_space<semaphore_mem>>)
      %lt3A_445 = arith.constant 15 : i32
      %lt3A_446 = arith.cmpi slt, %scan3A_106, %lt3A_445 : i32
      %convert_element_type3A_447 = arith.extui %lt3A_446 : i1 to i32
      %cond3A_448 = arith.constant 0 : i32
      %cond3A_449 = arith.cmpi ne, %convert_element_type3A_447, %cond3A_448 : i32
      scf.if %cond3A_449 {
        %add3A_450 = arith.constant 4 : i32
        %add3A_451 = arith.addi %add3A_364, %add3A_450 : i32
        %dma_start3A_452 = arith.constant 3 : i32
        %dma_start3A_453 = arith.constant 3 : i32
        %dma_start3A_454 = tpu.memref_slice %arg7[%dma_start3A_453] : memref<4x!tpu.dma_semaphore, #tpu.memory_space<semaphore_mem>> -> memref<1x!tpu.dma_semaphore, #tpu.memory_space<semaphore_mem>>
        %dma_start3A_455 = tpu.memref_squeeze %dma_start3A_454 : memref<1x!tpu.dma_semaphore, #tpu.memory_space<semaphore_mem>> -> memref<!tpu.dma_semaphore, #tpu.memory_space<semaphore_mem>>
        %dma_start3A_456 = arith.constant 0 : i32
        %dma_start3A_457 = arith.constant 0 : i32
        %dma_start3A_458 = tpu.memref_slice %arg5[%dma_start3A_452, %dma_start3A_456, %dma_start3A_457] : memref<4x1024x768xf32, #tpu.memory_space<vmem>> -> memref<1x1024x768xf32, #tpu.memory_space<vmem>>
        %dma_start3A_459 = tpu.memref_squeeze %dma_start3A_458 : memref<1x1024x768xf32, #tpu.memory_space<vmem>> -> memref<1024x768xf32, #tpu.memory_space<vmem>>
        %dma_start3A_460 = arith.constant 0 : i32
        %dma_start3A_461 = arith.constant 0 : i32
        %dma_start3A_462 = tpu.memref_slice %arg0[%add3A_451, %dma_start3A_460, %dma_start3A_461] : memref<64x1024x768xf32, #tpu.memory_space<any>> -> memref<1x1024x768xf32, #tpu.memory_space<any>>
        %dma_start3A_463 = tpu.memref_squeeze %dma_start3A_462 : memref<1x1024x768xf32, #tpu.memory_space<any>> -> memref<1024x768xf32, #tpu.memory_space<any>>
        tpu.enqueue_dma source(%dma_start3A_463 : memref<1024x768xf32, #tpu.memory_space<any>>) target(%dma_start3A_459 : memref<1024x768xf32, #tpu.memory_space<vmem>>) target_semaphore(%dma_start3A_455 : memref<!tpu.dma_semaphore, #tpu.memory_space<semaphore_mem>>)
      } else {
      }
    }
    %scan3A_54 = arith.constant 16 : i32
    %dma_wait3A = arith.constant 0 : i32
    %dma_wait3A_55 = arith.constant 60 : i32
    %dma_wait3A_56 = arith.constant 0 : i32
    %dma_wait3A_57 = tpu.memref_slice %arg8[%dma_wait3A_56] : memref<4x!tpu.dma_semaphore, #tpu.memory_space<semaphore_mem>> -> memref<1x!tpu.dma_semaphore, #tpu.memory_space<semaphore_mem>>
    %dma_wait3A_58 = tpu.memref_squeeze %dma_wait3A_57 : memref<1x!tpu.dma_semaphore, #tpu.memory_space<semaphore_mem>> -> memref<!tpu.dma_semaphore, #tpu.memory_space<semaphore_mem>>
    %dma_wait3A_59 = arith.constant 0 : i32
    %dma_wait3A_60 = arith.constant 0 : i32
    %dma_wait3A_61 = tpu.memref_slice %arg4[%dma_wait3A_55, %dma_wait3A_59, %dma_wait3A_60] : memref<64x1024x768xf32, #tpu.memory_space<any>> -> memref<1x1024x768xf32, #tpu.memory_space<any>>
    %dma_wait3A_62 = tpu.memref_squeeze %dma_wait3A_61 : memref<1x1024x768xf32, #tpu.memory_space<any>> -> memref<1024x768xf32, #tpu.memory_space<any>>
    %dma_wait3A_63 = arith.constant 0 : i32
    %dma_wait3A_64 = arith.constant 0 : i32
    %dma_wait3A_65 = tpu.memref_slice %arg6[%dma_wait3A, %dma_wait3A_63, %dma_wait3A_64] : memref<4x1024x768xf32, #tpu.memory_space<vmem>> -> memref<1x1024x768xf32, #tpu.memory_space<vmem>>
    %dma_wait3A_66 = tpu.memref_squeeze %dma_wait3A_65 : memref<1x1024x768xf32, #tpu.memory_space<vmem>> -> memref<1024x768xf32, #tpu.memory_space<vmem>>
    tpu.wait_dma2 semaphore(%dma_wait3A_58 : memref<!tpu.dma_semaphore, #tpu.memory_space<semaphore_mem>>) src(%dma_wait3A_66 : memref<1024x768xf32, #tpu.memory_space<vmem>>) dst(%dma_wait3A_62 : memref<1024x768xf32, #tpu.memory_space<any>>)
    %dma_wait3A_67 = arith.constant 1 : i32
    %dma_wait3A_68 = arith.constant 61 : i32
    %dma_wait3A_69 = arith.constant 1 : i32
    %dma_wait3A_70 = tpu.memref_slice %arg8[%dma_wait3A_69] : memref<4x!tpu.dma_semaphore, #tpu.memory_space<semaphore_mem>> -> memref<1x!tpu.dma_semaphore, #tpu.memory_space<semaphore_mem>>
    %dma_wait3A_71 = tpu.memref_squeeze %dma_wait3A_70 : memref<1x!tpu.dma_semaphore, #tpu.memory_space<semaphore_mem>> -> memref<!tpu.dma_semaphore, #tpu.memory_space<semaphore_mem>>
    %dma_wait3A_72 = arith.constant 0 : i32
    %dma_wait3A_73 = arith.constant 0 : i32
    %dma_wait3A_74 = tpu.memref_slice %arg4[%dma_wait3A_68, %dma_wait3A_72, %dma_wait3A_73] : memref<64x1024x768xf32, #tpu.memory_space<any>> -> memref<1x1024x768xf32, #tpu.memory_space<any>>
    %dma_wait3A_75 = tpu.memref_squeeze %dma_wait3A_74 : memref<1x1024x768xf32, #tpu.memory_space<any>> -> memref<1024x768xf32, #tpu.memory_space<any>>
    %dma_wait3A_76 = arith.constant 0 : i32
    %dma_wait3A_77 = arith.constant 0 : i32
    %dma_wait3A_78 = tpu.memref_slice %arg6[%dma_wait3A_67, %dma_wait3A_76, %dma_wait3A_77] : memref<4x1024x768xf32, #tpu.memory_space<vmem>> -> memref<1x1024x768xf32, #tpu.memory_space<vmem>>
    %dma_wait3A_79 = tpu.memref_squeeze %dma_wait3A_78 : memref<1x1024x768xf32, #tpu.memory_space<vmem>> -> memref<1024x768xf32, #tpu.memory_space<vmem>>
    tpu.wait_dma2 semaphore(%dma_wait3A_71 : memref<!tpu.dma_semaphore, #tpu.memory_space<semaphore_mem>>) src(%dma_wait3A_79 : memref<1024x768xf32, #tpu.memory_space<vmem>>) dst(%dma_wait3A_75 : memref<1024x768xf32, #tpu.memory_space<any>>)
    %dma_wait3A_80 = arith.constant 2 : i32
    %dma_wait3A_81 = arith.constant 62 : i32
    %dma_wait3A_82 = arith.constant 2 : i32
    %dma_wait3A_83 = tpu.memref_slice %arg8[%dma_wait3A_82] : memref<4x!tpu.dma_semaphore, #tpu.memory_space<semaphore_mem>> -> memref<1x!tpu.dma_semaphore, #tpu.memory_space<semaphore_mem>>
    %dma_wait3A_84 = tpu.memref_squeeze %dma_wait3A_83 : memref<1x!tpu.dma_semaphore, #tpu.memory_space<semaphore_mem>> -> memref<!tpu.dma_semaphore, #tpu.memory_space<semaphore_mem>>
    %dma_wait3A_85 = arith.constant 0 : i32
    %dma_wait3A_86 = arith.constant 0 : i32
    %dma_wait3A_87 = tpu.memref_slice %arg4[%dma_wait3A_81, %dma_wait3A_85, %dma_wait3A_86] : memref<64x1024x768xf32, #tpu.memory_space<any>> -> memref<1x1024x768xf32, #tpu.memory_space<any>>
    %dma_wait3A_88 = tpu.memref_squeeze %dma_wait3A_87 : memref<1x1024x768xf32, #tpu.memory_space<any>> -> memref<1024x768xf32, #tpu.memory_space<any>>
    %dma_wait3A_89 = arith.constant 0 : i32
    %dma_wait3A_90 = arith.constant 0 : i32
    %dma_wait3A_91 = tpu.memref_slice %arg6[%dma_wait3A_80, %dma_wait3A_89, %dma_wait3A_90] : memref<4x1024x768xf32, #tpu.memory_space<vmem>> -> memref<1x1024x768xf32, #tpu.memory_space<vmem>>
    %dma_wait3A_92 = tpu.memref_squeeze %dma_wait3A_91 : memref<1x1024x768xf32, #tpu.memory_space<vmem>> -> memref<1024x768xf32, #tpu.memory_space<vmem>>
    tpu.wait_dma2 semaphore(%dma_wait3A_84 : memref<!tpu.dma_semaphore, #tpu.memory_space<semaphore_mem>>) src(%dma_wait3A_92 : memref<1024x768xf32, #tpu.memory_space<vmem>>) dst(%dma_wait3A_88 : memref<1024x768xf32, #tpu.memory_space<any>>)
    %dma_wait3A_93 = arith.constant 3 : i32
    %dma_wait3A_94 = arith.constant 63 : i32
    %dma_wait3A_95 = arith.constant 3 : i32
    %dma_wait3A_96 = tpu.memref_slice %arg8[%dma_wait3A_95] : memref<4x!tpu.dma_semaphore, #tpu.memory_space<semaphore_mem>> -> memref<1x!tpu.dma_semaphore, #tpu.memory_space<semaphore_mem>>
    %dma_wait3A_97 = tpu.memref_squeeze %dma_wait3A_96 : memref<1x!tpu.dma_semaphore, #tpu.memory_space<semaphore_mem>> -> memref<!tpu.dma_semaphore, #tpu.memory_space<semaphore_mem>>
    %dma_wait3A_98 = arith.constant 0 : i32
    %dma_wait3A_99 = arith.constant 0 : i32
    %dma_wait3A_100 = tpu.memref_slice %arg4[%dma_wait3A_94, %dma_wait3A_98, %dma_wait3A_99] : memref<64x1024x768xf32, #tpu.memory_space<any>> -> memref<1x1024x768xf32, #tpu.memory_space<any>>
    %dma_wait3A_101 = tpu.memref_squeeze %dma_wait3A_100 : memref<1x1024x768xf32, #tpu.memory_space<any>> -> memref<1024x768xf32, #tpu.memory_space<any>>
    %dma_wait3A_102 = arith.constant 0 : i32
    %dma_wait3A_103 = arith.constant 0 : i32
    %dma_wait3A_104 = tpu.memref_slice %arg6[%dma_wait3A_93, %dma_wait3A_102, %dma_wait3A_103] : memref<4x1024x768xf32, #tpu.memory_space<vmem>> -> memref<1x1024x768xf32, #tpu.memory_space<vmem>>
    %dma_wait3A_105 = tpu.memref_squeeze %dma_wait3A_104 : memref<1x1024x768xf32, #tpu.memory_space<vmem>> -> memref<1024x768xf32, #tpu.memory_space<vmem>>
    tpu.wait_dma2 semaphore(%dma_wait3A_97 : memref<!tpu.dma_semaphore, #tpu.memory_space<semaphore_mem>>) src(%dma_wait3A_105 : memref<1024x768xf32, #tpu.memory_space<vmem>>) dst(%dma_wait3A_101 : memref<1024x768xf32, #tpu.memory_space<any>>)
    return
  }
}

</mosaic_0001>

<sc_bundles>
// kernel: kernel.4.cloned.1.call-start
scs
__scs_entry_jumppad:
0x0: {  	(pc) =	sbr.rel $0x88, $3  }
0x1: {  	(tag) =	ssettag $0x0;
	lr =	simm.s32 $0x1  }
0x2: {  	[smem:$0x3F9C] =	sst lr;
	_ =	strace $0xD0000000  }
0x3: {  	_ = 	snop  }
0x4: {  	_ = 	snop  }
0x5: {  	_ = 	snop  }
0x6: {  	_ = 	snop  }
0x7: {  	_ = 	snop  }
__scs_overlays_trampoline_lowered:
0x8: {  	[smem:$0x3FAB] =	sst s0  }
0x9: {  	[smem:$0x3FAC] =	sst s1  }
0xa: {  	[smem:$0x3FAD] =	sst s2  }
0xb: {  	[smem:$0x3FAE] =	sst s3  }
0xc: {  	[smem:$0x3FAF] =	sst s4  }
0xd: {  	[smem:$0x3FB0] =	sst s5  }
0xe: {  	[smem:$0x3FB1] =	sst s6  }
0xf: {  	[smem:$0x3FB2] =	sst s7  }
0x10: {  	[smem:$0x3FB3] =	sst s8  }
0x11: {  	[smem:$0x3FB4] =	sst s9;
	s0 =	simm.s32 @!p0 $0x0  }
0x12: {  	s1 =	sld [smem:$0x3F9A];
	s0 =	simm.s32 @p0 $0x1  }
0x13: {  	[smem:$0x3FB5] =	sst s0;
	s0 =	simm.s32 @!p1 $0x0  }
0x14: {  	s2 =	sld [smem:$0x3F99];
	s0 =	simm.s32 @p1 $0x1  }
0x15: {  	[smem:$0x3FB6] =	sst s0;
	s0 =	simm.s32 @!p2 $0x0  }
0x16: {  	s3 =	sld [smem:$0x3FDB];
	s0 =	simm.s32 @p2 $0x1  }
0x17: {  	s4 =	simm.s32 $0x1BF5;
	[smem:$0x3FB8] =	sst s0  }
0x18: {  	s0 =	sld [smem:$0x3F9B];
	_ =	swait.ge [sflag:s4], $0x0  }
0x19: {  	s7 =	sld [smem:$0x3F9C]  }
0x1a: {  	s8 =	sadd.s32 $0xFFFFE003, lr  }
0x1b: {  	s9 =	sadd.s32 $0xFFFFFEF7, lr;
	s5 =	simm.s32 $0xFFFFFFFF;
	p2 =	slt.u32 s8, $0xFFFFF086  }
0x1c: {  	p1 =	slt.u32 s9, $0xF7A;
	s5 =	simm.s32 @!p2 $0x0  }
0x1d: {  	s5 =	simm.s32 @p1 $0x1;
	p0 =	seq.s32 s7, s2  }
0x1e: {  	s7 =	smul.u32 @!p0 $0xF7A, s2;
	p2 =	seq.s32 @!p0 s5, $0x0  }
0x1f: {  	s9 =	smul.u32 $0xF7A, s1;
	s8 =	simm.s32 @!p0 $0x1BF5;
	p2 =	por !p2, p0  }
0x20: {  	[sflag:s8] =	ssyncset.s32 @!p0 $0xFFFFF086;
	s6 =	sadd.s32 @!p0 s3, s7;
	s7 =	simm.s32 @!p0 $0x108  }
0x21: {  	s3 =	sadd.s32 s3, s9;
	s6 =	sadd.s32 @!p0 $0x88, s6;
	s7 =	simm.s32 @p2 $0x1082  }
0x22: {  	[simem:s7], [sflag:s8] =	dma.local @!p0 [hbm:s6], $0xF7A  }
0x23: {  	s9 =	sor.u32 $0xD0000000, s2;
	s6 =	simm.s32 $0x108;
	_ =	swait.ge @!p0 [sflag:s8], $0x0  }
0x24: {  	s3 =	sadd.s32 $0x88, s3;
	s6 =	simm.s32 @!p1 $0x1082;
	[sflag:s4] =	ssyncset.s32 $0xFFFFF086  }
0x25: {  	[simem:s6], [sflag:s4] =	dma.local [hbm:s3], $0xF7A  }
0x26: {  	[smem:$0x3F9C] =	sst s1;
	(tag) =	ssettag s2;
	_ =	strace s9  }
0x27: {  	s1 =	sld [smem:$0x3FAC]  }
0x28: {  	s2 =	sld [smem:$0x3FAD]  }
0x29: {  	s4 =	sld [smem:$0x3FAF]  }
0x2a: {  	p0 =	seq.s32 s5, $0x0;
	s5 =	sld [smem:$0x3FB0]  }
0x2b: {  	s6 =	sld [smem:$0x3FB1]  }
0x2c: {  	s7 =	sld [smem:$0x3FB2]  }
0x2d: {  	s3 =	simm.s32 $0x108;
	s8 =	sld [smem:$0x3FB3]  }
0x2e: {  	s3 =	simm.s32 @!p0 $0x1082;
	s9 =	sld [smem:$0x3FB4]  }
0x2f: {  	lr =	sadd.s32 s0, s3;
	s0 =	sld [smem:$0x3FAB]  }
0x30: {  	s3 =	sld [smem:$0x3FAE]  }
0x31: {  	[smem:$0x3FB7] =	sst s10  }
0x32: {  	s10 =	sld [smem:$0x3FB5];
	_ =	sdelay $0x3  }
0x33: {  	p0 =	seq.s32 s10, $0x1;
	s10 =	sld [smem:$0x3FB7];
	_ =	sdelay $0x3  }
0x34: {  	[smem:$0x3FB7] =	sst s10  }
0x35: {  	s10 =	sld [smem:$0x3FB6];
	_ =	sdelay $0x3  }
0x36: {  	p1 =	seq.s32 s10, $0x1;
	s10 =	sld [smem:$0x3FB7];
	_ =	sdelay $0x3  }
0x37: {  	[smem:$0x3FB7] =	sst s10  }
0x38: {  	s10 =	sld [smem:$0x3FB8]  }
0x39: {  	_ = 	snop;
	(pc) =	sbr.ind lr, $3  }
0x3a: {  	_ = 	snop  }
0x3b: {  	_ = 	snop  }
0x3c: {  	p2 =	seq.s32 s10, $0x1;
	s10 =	sld [smem:$0x3FB7]  }
0x3d: {  	_ =	shalt  }
0x3e: {  	_ =	shalt  }
0x3f: {  	_ =	shalt  }
0x40: {  	_ =	shalt  }
0x41: {  	_ =	shalt  }
0x42: {  	_ =	shalt  }
0x43: {  	_ =	shalt  }
0x44: {  	_ =	shalt  }
0x45: {  	_ =	shalt  }
0x46: {  	_ =	shalt  }
0x47: {  	_ =	shalt  }
0x48: {  	_ =	shalt  }
0x49: {  	_ =	shalt  }
0x4a: {  	_ =	shalt  }
0x4b: {  	_ =	shalt  }
0x4c: {  	_ =	shalt  }
0x4d: {  	_ =	shalt  }
0x4e: {  	_ =	shalt  }
0x4f: {  	_ =	shalt  }
0x50: {  	_ =	shalt  }
0x51: {  	_ =	shalt  }
0x52: {  	_ =	shalt  }
0x53: {  	_ =	shalt  }
0x54: {  	_ =	shalt  }
0x55: {  	_ =	shalt  }
0x56: {  	_ =	shalt  }
0x57: {  	_ =	shalt  }
0x58: {  	_ =	shalt  }
0x59: {  	_ =	shalt  }
0x5a: {  	_ =	shalt  }
0x5b: {  	_ =	shalt  }
0x5c: {  	_ =	shalt  }
0x5d: {  	_ =	shalt  }
0x5e: {  	_ =	shalt  }
0x5f: {  	_ =	shalt  }
0x60: {  	_ =	shalt  }
0x61: {  	_ =	shalt  }
0x62: {  	_ =	shalt  }
0x63: {  	_ =	shalt  }
0x64: {  	_ =	shalt  }
0x65: {  	_ =	shalt  }
0x66: {  	_ =	shalt  }
0x67: {  	_ =	shalt  }
0x68: {  	_ =	shalt  }
0x69: {  	_ =	shalt  }
0x6a: {  	_ =	shalt  }
0x6b: {  	_ =	shalt  }
0x6c: {  	_ =	shalt  }
0x6d: {  	_ =	shalt  }
0x6e: {  	_ =	shalt  }
0x6f: {  	_ =	shalt  }
0x70: {  	_ =	shalt  }
0x71: {  	_ =	shalt  }
0x72: {  	_ =	shalt  }
0x73: {  	_ =	shalt  }
0x74: {  	_ =	shalt  }
0x75: {  	_ =	shalt  }
0x76: {  	_ =	shalt  }
0x77: {  	_ =	shalt  }
0x78: {  	_ =	shalt  }
0x79: {  	_ =	shalt  }
0x7a: {  	_ =	shalt  }
0x7b: {  	_ =	shalt  }
0x7c: {  	_ =	shalt  }
0x7d: {  	_ =	shalt  }
0x7e: {  	_ =	shalt  }
0x7f: {  	_ =	shalt  }
0x80: {  	_ =	shalt  }
0x81: {  	_ =	shalt  }
0x82: {  	_ =	shalt  }
0x83: {  	_ =	shalt  }
0x84: {  	_ =	shalt  }
0x85: {  	_ =	shalt  }
0x86: {  	_ =	shalt  }
0x87: {  	_ =	shalt  }
.Lfunc_end0:
.L_simem_size_0:
called_computation_lowered:
.L_overlay_start_0:
0x88: {  	s2 =	sld [smem:$0x3FD9]  }
0x89: {  	s3 =	sld [smem:$0x3FFE];
	_ =	sdelay $0x1  }
0x8a: {  	s1 =	srdreg.scid  }
0x8b: {  	s0 =	sand.u32 $0x1, s1  }
0x8c: {  	s18 =	sshll.u32 s0, $0xA;
	s2 =	sadd.s32 s3, s2  }
0x8d: {  	s2 =	sadd.s32 s2, s18  }
0x8e: {  	[smem:$0x3FC3] =	sst s2  }
0x8f: {  	_ = 	snop  }
0x90: {  	s2 =	sld [smem:$0x3FC8]  }
0x91: {  	s19 =	sld [smem:$0x3FC7]  }
0x92: {  	s4 =	sld [smem:$0x3FD0];
	(tm) =	ssettm $0x1  }
0x93: {  	s5 =	sld [smem:$0x3FFB];
	_ =	sdelay $0x3  }
0x94: {  	_ =	strace s5  }
0x95: {  	s5 =	sld [smem:$0x3FFC];
	_ =	sdelay $0x3  }
0x96: {  	_ =	strace s5  }
0x97: {  	s5 =	sld [smem:$0x3FFD];
	_ =	sdelay $0x3  }
0x98: {  	_ =	strace s5  }
0x99: {  	_ =	strace $0x8FFFFFFF  }
0x9a: {  	s20 =	sld [smem:$0x3FDB];
	_ =	sdelay $0x1  }
0x9b: {  	s6 =	simm.s32 $_scs_section_size  }
0x9c: {  	s7 =	simm.s32 $_size__tile_overlayer_lowered;
	s8 =	simm.s32 $_tile_overlayer_lowered  }
0x9d: {  	s23 =	simm.s32 $0x1BFF;
	s22 =	sshll.u32 s8, $0x1;
	s5 =	sadd.s32 s6, s20  }
0x9e: {  	s9 =	simm.s32 $0x0;
	s21 =	sshll.u32 s7, $0x1;
	s7 =	sadd.s32 s22, s5  }
0x9f: {  	[timem:s9], [sflag:s23] =	dma.local [hbm:s7], s21  }
0xa0: {  	_ =	swait.ge [sflag:s23], s21  }
0xa1: {  	s6 =	ssub.s32 $0x0, s21;
	[sflag:s23] =	ssyncset.done $0x0  }
0xa2: {  	[sflag:s23] =	ssyncadd.s32 s6;
	_ =	sdelay $0x1  }
0xa3: {  	s24 =	simm.s32 $0x1B8B  }
0xa4: {  	_ =	swait.ge [sflag:s24], $0x1  }
0xa5: {  	[sflag:s24] =	ssyncset.done $0x0  }
0xa6: {  	s25 =	simm.s32 $0x1B8E;
	[sflag:s24] =	ssyncadd.s32 $0xFFFFFFFF  }
0xa7: {  	s26 =	simm.s32 $execute0_lowered;
	[smem:$0x3FD2] =	sst s25  }
0xa8: {  	s6 =	sshll.u32 s26, $0x1;
	_ =	strace $0x80000046;
	[dreg:$0x1] =	wrdreg $0xFFFFFFFF  }
0xa9: {  	s28 =	simm.s32 $_size_execute0_lowered;
	s5 =	sadd.s32 s5, s6;
	[dreg:$0x0] =	wrdreg $0x0  }
0xaa: {  	s6 =	sshll.u32 s28, $0x1;
	[dreg:$0x2] =	wrdreg s5  }
0xab: {  	[dreg:$0x3] =	wrdreg s6  }
0xac: {  	[dreg:$0x4] =	wrdreg $0xC0  }
0xad: {  	_ =	task [dreg:s9], $0x5FFFF  }
0xae: {  	[dreg:$0x1] =	wrdreg $0xFFFFFFFF  }
0xaf: {  	[dreg:$0x0] =	wrdreg $0x60  }
0xb0: {  	[dreg:$0x2] =	wrdreg s2  }
0xb1: {  	[dreg:$0x3] =	wrdreg s19  }
0xb2: {  	[dreg:$0x4] =	wrdreg s4  }
0xb3: {  	[dreg:$0x5] =	wrdreg $0x9  }
0xb4: {  	_ =	task.clear_ibuf [dreg:s9], $0x6FFFF;
	_ =	strace $0x90000046  }
0xb5: {  	s29 =	simm.s32 $0x9;
	_ =	strace $0x80000048  }
0xb6: {  	_ =	swait.ge [sflag:s29], $0x1  }
0xb7: {  	[sflag:s29] =	ssyncadd.s32 $0xFFFFFFFF  }
0xb8: {  	_ =	strace $0x90000048  }
0xb9: {  	_ =	sfence  }
0xba: {  	s30 =	sld [smem:$0x0];
	_ =	sdelay $0x2  }
0xbb: {  	s31 =	sshll.u32 s1, $0xD;
	s1 =	sshrl.u32 s1, $0x2  }
0xbc: {  	s3 =	sand.u32 $0x4000, s31;
	s1 =	sadd.s32 s1, s30  }
0xbd: {  	s0 =	sor.u32 s3, s0;
	s1 =	sshll.u32 s1, $0x11  }
0xbe: {  	s0 =	sor.u32 s1, s0  }
0xbf: {  	s0 =	sadd.s32 $0x8F2B, s0  }
0xc0: {  	[sflag:s0] =	ssyncadd.remote.s32 $0x1  }
0xc1: {  	_ =	sfence.sel $0xFFFF  }
0xc2: {  	[dreg:$0x0] =	wrdreg $0xFFFFFFFF;
	(pc) =	sbr.abs _section_cstart, $3  }
0xc3: {  	[dreg:$0x1] =	wrdreg $0xFFFFFFFF  }
0xc4: {  	_ =	task.clear_ibuf [dreg:s9], $0x2FFFF;
	_ =	strace $0x9FFFFFFF  }
0xc5: {  	(tm) =	ssettm $0x7FFFFFFF  }
tec
execute0_lowered:
.L_overlay_start_1:
0x0: {  	(tag) =	ssettag $0x1  }
0x1: {  	s1 =	stileid.u32  }
0x2: {  	p0 =	sgt.u32 s1, $0x3  }
.Ltmp0:
0x3: {  	s4 =	rddreg [dreg:$0x0];
	(pc) =	sbr.rel @p0 .LBB2_4-.Ltmp0, $4  }
0x4: {  	s2 =	rddreg [dreg:$0x1]  }
0x5: {  	s12 =	rddreg [dreg:$0x2];
	s3 =	simm.s32 $0x0  }
0x6: {  	[smem:$0x7FF] =	sst s3  }
0x7: {  	s0 =	rddreg [dreg:$0x3];
	_ =	strace $0x80000047  }
0x8: {  	s5 =	srdreg.scid  }
0x9: {  	s30 =	sshll.u32 s1, $0x1;
	s10 =	sand.u32 $0x1, s5  }
0xa: {  	s13 =	sor.u32 s10, s30  }
0xb: {  	s5 =	sadd.s32 s4, s13;
	s4 =	simm.s32 $0x2  }
0xc: {  	[tilespmem:s3], [sflag:$0x2] =	stream.linear.gather [hbm4b:s5+s3], $0x8, $0x38;
	[tilespmem:$0x1880] =	vst v63  }
0xd: {  	_ =	swait.ge [sflag:s4], $0x8  }
0xe: {  	[sflag:s4] =	ssyncset.done $0x0  }
0xf: {  	[sflag:s4] =	ssyncadd.s32 $0xFFFFFFF8  }
0x10: {  	v0 =	vld.msk [tilespmem:$0x0], $0xff;
	_ =	sdelay $0x4  }
0x11: {  	v1 =	vshrl.u32 v0, $0x3  }
0x12: {  	v1 =	vmul.u32 $0x30, v1  }
0x13: {  	v2 =	vlaneseq.u32;
	v3 =	vand.u32 $0x7, v0  }
0x14: {  	v0 =	vand.u32 $0x7, v2;
	v2 =	vshrl.u32 v2, $0x3;
	v3 =	vor.u32 v3, v1  }
0x15: {  	v1 =	vmul.u32 $0x8, v2;
	v2 =	vperm.xlane v3, v0;
	_ =	sdelay $0x1  }
0x16: {  	v2 =	vadd.s32 v1, v2;
	_ =	sdelay $0x2  }
0x17: {  	s14 =	ssub.s32 $0x2, s10  }
0x18: {  	vm0 =	vmmov $0xffff;
	s6 =	simm.s32 $0x80;
	s7 =	sadd.s32 $0x100, s2;
	s15 =	sshrl.u32 s14, $0x1  }
0x19: {  	[tilespmem:s6], [sflag:$0x1] =	stream.indirect_vreg.gather [hbm4b:s2+s3], $0x80, v2, vm0, $0xb8;
	[tilespmem:$0x1880] =	vst v63  }
0x1a: {  	s8 =	sadd.s32 $0x200, s2;
	s9 =	simm.s32 $0x880;
	s14 =	ssub.s32 s14, s15  }
0x1b: {  	[tilespmem:s9], [sflag:$0x1] =	stream.indirect_vreg.gather [hbm4b:s7+s3], $0x80, v2, vm0, $0xb8;
	[tilespmem:$0x1880] =	vst v63  }
0x1c: {  	s11 =	simm.s32 $0x1;
	s10 =	simm.s32 $0x1080;
	s31 =	smax.u32 s14, $0x1  }
0x1d: {  	[tilespmem:s10], [sflag:$0x1] =	stream.indirect_vreg.gather [hbm4b:s8+s3], $0x80, v2, vm0, $0xb8;
	[tilespmem:$0x1880] =	vst v63  }
0x1e: {  	s13 =	smul.u32 $0x300, s13;
	p0 =	sne.s32 s31, $0x1;
	_ =	swait.ge [sflag:s11], $0x1800  }
.Ltmp1:
0x1f: {  	[sflag:s11] =	ssyncset.done $0x0;
	(pc) =	sbr.rel @!p0 .LBB2_3-.Ltmp1, $4  }
0x20: {  	s12 =	sadd.s32 s12, s13;
	[sflag:s11] =	ssyncadd.s32 $0xFFFFE800  }
0x21: {  	[hbm4b:s12+s3] =	stream.linear.scatter [tilespmem:s6], [sflag:$0x2], $0x1800, $0x38;
	[tilespmem:$0x1880] =	vst v63  }
0x22: {  	_ =	swait.ge [sflag:s4], $0x1800  }
0x23: {  	s13 =	sadd.s32 $0xFFFFFFFF, s31;
	[sflag:s4] =	ssyncset.done $0x0  }
.LBB2_2:
0x24: {  	p0 =	sne.s32 s13, $0x1;
	s13 =	sadd.s32 $0xFFFFFFFF, s13;
	[sflag:s4] =	ssyncadd.s32 $0xFFFFE800  }
0x25: {  	[tilespmem:s3], [sflag:$0x2] =	stream.linear.gather [hbm4b:s5+s3], $0x8, $0x38;
	[tilespmem:$0x1880] =	vst v63  }
0x26: {  	_ =	swait.ge [sflag:s4], $0x8  }
0x27: {  	[sflag:s4] =	ssyncset.done $0x0  }
0x28: {  	[sflag:s4] =	ssyncadd.s32 $0xFFFFFFF8  }
0x29: {  	v2 =	vld.msk [tilespmem:$0x0], $0xff;
	_ =	sdelay $0x4  }
0x2a: {  	v3 =	vshrl.u32 v2, $0x3  }
0x2b: {  	v3 =	vmul.u32 $0x30, v3  }
0x2c: {  	v2 =	vand.u32 $0x7, v2  }
0x2d: {  	v2 =	vor.u32 v2, v3  }
0x2e: {  	v2 =	vperm.xlane v2, v0;
	_ =	sdelay $0x1  }
0x2f: {  	v2 =	vadd.s32 v1, v2;
	_ =	sdelay $0x4  }
0x30: {  	[tilespmem:s6], [sflag:$0x1] =	stream.indirect_vreg.gather [hbm4b:s2+s3], $0x80, v2, vm0, $0xb8;
	[tilespmem:$0x1880] =	vst v63  }
0x31: {  	_ = 	snop  }
0x32: {  	[tilespmem:s9], [sflag:$0x1] =	stream.indirect_vreg.gather [hbm4b:s7+s3], $0x80, v2, vm0, $0xb8;
	[tilespmem:$0x1880] =	vst v63  }
0x33: {  	_ = 	snop  }
0x34: {  	[tilespmem:s10], [sflag:$0x1] =	stream.indirect_vreg.gather [hbm4b:s8+s3], $0x80, v2, vm0, $0xb8;
	[tilespmem:$0x1880] =	vst v63  }
0x35: {  	_ =	swait.ge [sflag:s11], $0x1800  }
.Ltmp2:
0x36: {  	[sflag:s11] =	ssyncset.done $0x0;
	(pc) =	sbr.rel @p0 .LBB2_2-.Ltmp2, $4  }
0x37: {  	[sflag:s11] =	ssyncadd.s32 $0xFFFFE800  }
0x38: {  	[hbm4b:s12+s3] =	stream.linear.scatter [tilespmem:s6], [sflag:$0x2], $0x1800, $0x38;
	[tilespmem:$0x1880] =	vst v63  }
0x39: {  	_ =	swait.ge [sflag:s4], $0x1800  }
0x3a: {  	[sflag:s4] =	ssyncset.done $0x0  }
.LBB2_3:
0x3b: {  	[sflag:s4] =	ssyncadd.s32 $0xFFFFE800  }
.LBB2_4:
0x3c: {  	_ =	sfence.sel $0x180000  }
0x3d: {  	[bflag:$0x0] =	sbarrier.arrive $0xFFFF  }
0x3e: {  	p0 =	sne.s32 s1, $0x0;
	_ =	strace $0x90000047  }
0x3f: {  	s0 =	sadd.s32 @!p0 $0x100000, s0;
	[bflag:$0x2] =	sbarrier.arrive $0xFFFF  }
0x40: {  	[sflag:s0] =	ssyncadd.tile.s32 @!p0 $0x1;
	_ =	shalt  }
.Lfunc_end2:
_tile_overlayer_lowered:
.L_overlay_start_2:
0x41: {  	(tag) =	ssettag $0x2  }
0x42: {  	s0 =	rddreg [dreg:$0x0];
	s2 =	stileid.u32  }
0x43: {  	s1 =	rddreg [dreg:$0x1];
	p0 =	sne.s32 s2, $0x0  }
0x44: {  	s3 =	rddreg [dreg:$0x2];
	[bflag:$0x3] =	sbarrier.arrive $0xFFFF;
	s2 =	simm.s32 @!p0 $0x1C02  }
0x45: {  	[timem:s3], [sflag:s2] =	dma.local @!p0 [hbm:s0], s1  }
0x46: {  	s0 =	simm.s32 @!p0 $0x2  }
0x47: {  	_ =	swait.ge @!p0 [sflag:s0], s1  }
0x48: {  	s1 =	ssub.s32 @!p0 $0x0, s1;
	[sflag:s0] =	ssyncset.done @!p0 $0x0  }
0x49: {  	[sflag:s0] =	ssyncadd.s32 @!p0 s1  }
0x4a: {  	[bflag:$0x3] =	sbarrier.arrive $0xFFFF  }
0x4b: {  	_ =	shalt  }

</sc_bundles>
